<compile_context>
chip_gen: v7x
topology: tpu7x:2x2x1
jax: 0.10.2.dev20260603
libtpu: 0.0.44.dev20260713+nightly
codegen_flags: <defaults>
</compile_context>

<pallas_src>
import functools

import jax
import jax.numpy as jnp
from jax import lax
from jax.experimental import pallas as pl
from jax.experimental.pallas import tpu as pltpu
from jax.experimental.pallas import tpu_sc as plsc

N = 10000
E = 320000
D = 128
DG = 16
NC = 2
NS = 16
NW = NC * NS
EW = E // NW
C = 40
IT = EW // C
P = 2
PC = IT // P
NB = 5
ZA = C
ZD = 100


def _head_body(p_ref, g_ref, wmp_ref, bmp_ref, w1_ref, b1_ref, w2_ref,
               b2_ref, o_ref):
    agg = p_ref[0] + p_ref[1]
    inv = 1.0 / jnp.maximum(g_ref[0, :, :1] + g_ref[1, :, :1], 1.0)
    h = jnp.maximum(
        jnp.dot(agg * inv, wmp_ref[...], preferred_element_type=jnp.float32)
        + bmp_ref[...], 0.0)
    h = jnp.maximum(
        jnp.dot(h, w1_ref[...], preferred_element_type=jnp.float32)
        + b1_ref[...], 0.0)
    o_ref[...] = (
        jnp.dot(h, w2_ref[...], preferred_element_type=jnp.float32)
        + b2_ref[...])


def _sc_body(ft_hbm, ei_hbm, agg_hbm, deg_hbm,
             sall, dall, r0b, r1b, r2b, r3b, r4b, onesb, zdeg, acc, deg,
             s0, s1, s2, s3, s4, sd):
    rows = [r0b, r1b, r2b, r3b, r4b]
    sems = [s0, s1, s2, s3, s4]
    cid = lax.axis_index("c")
    sid = lax.axis_index("s")
    w = cid * NS + sid

    def frow(r, carry):
        for c8 in range(D // 16):
            r0b[r, pl.ds(c8 * 16, 16)] = jnp.zeros((16,), jnp.float32)
        onesb[r, pl.ds(0, DG)] = jnp.ones((DG,), jnp.float32)
        return carry
    lax.fori_loop(0, C, frow, 0)

    def fzd(r, carry):
        zdeg[r, pl.ds(0, DG)] = jnp.zeros((DG,), jnp.float32)
        return carry
    lax.fori_loop(0, ZD, fzd, 0)

    def zacc(t, carry):
        j = t * NS + sid

        @pl.when(j < N // ZA)
        def _():
            pltpu.sync_copy(r0b, acc.at[pl.ds(j * ZA, ZA)])
        return carry
    lax.fori_loop(0, -(-(N // ZA) // NS), zacc, 0)

    def zdg(t, carry):
        j = t * NS + sid

        @pl.when(j < N // ZD)
        def _():
            pltpu.sync_copy(zdeg, deg.at[pl.ds(j * ZD, ZD)])
        return carry
    lax.fori_loop(0, -(-(N // ZD) // NS), zdg, 0)
    plsc.subcore_barrier()

    def sx(i):
        return sall.at[pl.ds(i * C, C)]

    def dx(i):
        return dall.at[pl.ds(i * C, C)]

    for p in range(P):
        pltpu.sync_copy(ei_hbm.at[0, pl.ds(w * EW + p * PC * C, PC * C)],
                        sall)
        pltpu.sync_copy(ei_hbm.at[1, pl.ds(w * EW + p * PC * C, PC * C)],
                        dall)
        for b in range(NB):
            pltpu.async_copy(ft_hbm.at[sx(b)], rows[b], sems[b])
            pltpu.async_copy(onesb, deg.at[dx(b)], sd, add=True)

        def visit(i, b):
            pltpu.make_async_copy(ft_hbm.at[sx(i)], rows[b], sems[b]).wait()
            pltpu.sync_copy(rows[b], acc.at[dx(i)], add=True)
            pltpu.async_copy(ft_hbm.at[sx(i + NB)], rows[b], sems[b])
            pltpu.async_copy(onesb, deg.at[dx(i + NB)], sd, add=True)

        def step(t, carry):
            for b in range(NB):
                visit(t * NB + b, b)
            return carry
        lax.fori_loop(0, PC // NB - 1, step, 0)

        for b in range(NB):
            i = PC - NB + b
            pltpu.make_async_copy(ft_hbm.at[sx(i)], rows[b], sems[b]).wait()
            pltpu.sync_copy(rows[b], acc.at[dx(i)], add=True)

        def drain(i, carry):
            pltpu.make_async_copy(onesb, deg.at[dx(i)], sd).wait()
            return carry
        lax.fori_loop(0, PC, drain, 0)
    plsc.subcore_barrier()

    def wacc(t, carry):
        j = t * NS + sid

        @pl.when(j < N // ZA)
        def _():
            pltpu.sync_copy(acc.at[pl.ds(j * ZA, ZA)], r0b)
            pltpu.sync_copy(r0b, agg_hbm.at[cid, pl.ds(j * ZA, ZA)])
        return carry
    lax.fori_loop(0, -(-(N // ZA) // NS), wacc, 0)

    def wdg(t, carry):
        j = t * NS + sid

        @pl.when(j < N // ZD)
        def _():
            pltpu.sync_copy(deg.at[pl.ds(j * ZD, ZD)], zdeg)
            pltpu.sync_copy(zdeg, deg_hbm.at[cid, pl.ds(j * ZD, ZD)])
        return carry
    lax.fori_loop(0, -(-(N // ZD) // NS), wdg, 0)


_sc_aggregate = functools.partial(
    pl.kernel,
    out_type=(jax.ShapeDtypeStruct((NC, N, D), jnp.float32),
              jax.ShapeDtypeStruct((NC, N, DG), jnp.float32)),
    mesh=plsc.VectorSubcoreMesh(
        core_axis_name="c", subcore_axis_name="s",
        num_cores=NC, num_subcores=NS),
    scratch_types=(
        [pltpu.VMEM((PC * C,), jnp.int32)] * 2
        + [pltpu.VMEM((C, D), jnp.float32)] * NB
        + [pltpu.VMEM((C, DG), jnp.float32),
           pltpu.VMEM((ZD, DG), jnp.float32),
           pltpu.VMEM_SHARED((N, D), jnp.float32),
           pltpu.VMEM_SHARED((N, DG), jnp.float32)]
        + [pltpu.SemaphoreType.DMA] * (NB + 1)
    ),
    compiler_params=pltpu.CompilerParams(use_tc_tiling_on_sc=False),
)(_sc_body)


def kernel(features, edge_index, W_mp, b_mp, W1, b1, W2, b2):
    parts, degp = _sc_aggregate(features, edge_index)

    out = pl.pallas_call(
        _head_body,
        out_shape=jax.ShapeDtypeStruct((N, D), jnp.float32),
    )(parts, degp, W_mp, b_mp.reshape(1, D), W1, b1.reshape(1, D),
      W2, b2.reshape(1, D))
    return out

# --- scband reference (transcript-rebuilt; emitter-appended) ---
"""Pipeline reference for scband-mol-gdl-55439437856868 (READ-ONLY COPY).

The authoritative reference and input builder live on the scoring server;
editing this copy changes nothing except your own understanding.
"""

import jax, jax.numpy as jnp
import numpy as np

N_NODES = 10000
N_EDGES = 320000
D_FEAT = 128
D_HID = 128
D_OUT = 128


def setup_inputs(seed: int = 0) -> dict:
    key = jax.random.key(seed)
    k1, k2, k3, k4, k5, k6, k7, k8 = jax.random.split(key, 8)
    features = jax.random.normal(k1, (N_NODES, D_FEAT), dtype=jnp.float32)
    # adjacency read in __init__ of the torch module -> materialized here as edge_index
    edge_index = jax.random.randint(k2, (2, N_EDGES), 0, N_NODES, dtype=jnp.int32)
    # MessagePassing learned params (mp.init_params)
    W_mp = jax.random.normal(k3, (D_FEAT, D_HID), dtype=jnp.float32) * 0.05
    b_mp = jnp.zeros((D_HID,), dtype=jnp.float32)
    # GNN (post message-passing MLP) params
    W1 = jax.random.normal(k4, (D_HID, D_HID), dtype=jnp.float32) * 0.05
    b1 = jnp.zeros((D_HID,), dtype=jnp.float32)
    W2 = jax.random.normal(k5, (D_HID, D_OUT), dtype=jnp.float32) * 0.05
    b2 = jnp.zeros((D_OUT,), dtype=jnp.float32)
    return {"features": features, "edge_index": edge_index, "W_mp": W_mp, "b_mp": b_mp, "W1": W1, "b1": b1, "W2": W2, "b2": b2}


def reference(features, edge_index, W_mp, b_mp, W1, b1, W2, b2):
    src = edge_index[0]
    dst = edge_index[1]
    # message passing: gather neighbor features, mean-aggregate by destination node
    msgs = jnp.take(features, src, axis=0)
    agg = jax.ops.segment_sum(msgs, dst, num_segments=N_NODES)
    deg = jax.ops.segment_sum(jnp.ones((N_EDGES,), dtype=jnp.float32), dst, num_segments=N_NODES)
    agg = agg / jnp.clip(deg, 1.0, None)[:, None]
    h = jax.nn.relu(agg @ W_mp + b_mp)
    # GNN head (MLP over node features)
    h = jax.nn.relu(h @ W1 + b1)
    out = h @ W2 + b2
    return out

if __name__ == "__main__":
    import jax
    _d = setup_inputs()
    print(jax.jit(kernel)(*tuple(_d.values())))

</pallas_src>

<mosaic_0001>
#map = affine_map<(d0, d1) -> (0, 0)>
#map1 = affine_map<(d0, d1) -> (0, 0, 0)>
module attributes {stable_mosaic.version = 14 : i64} {
  func.func @_sc_body(%arg0: i32, %arg1: i32, %arg2: memref<10000x128xf32, #tpu.memory_space<hbm>>, %arg3: memref<2x320000xi32, #tpu.memory_space<hbm>>, %arg4: memref<2x10000x128xf32, #tpu.memory_space<hbm>>, %arg5: memref<2x10000x16xf32, #tpu.memory_space<hbm>>, %arg6: memref<5000xi32, #tpu.memory_space<vmem>>, %arg7: memref<5000xi32, #tpu.memory_space<vmem>>, %arg8: memref<40x128xf32, #tpu.memory_space<vmem>>, %arg9: memref<40x128xf32, #tpu.memory_space<vmem>>, %arg10: memref<40x128xf32, #tpu.memory_space<vmem>>, %arg11: memref<40x128xf32, #tpu.memory_space<vmem>>, %arg12: memref<40x128xf32, #tpu.memory_space<vmem>>, %arg13: memref<40x16xf32, #tpu.memory_space<vmem>>, %arg14: memref<100x16xf32, #tpu.memory_space<vmem>>, %arg15: memref<10000x128xf32, #tpu.memory_space<vmem_shared>>, %arg16: memref<10000x16xf32, #tpu.memory_space<vmem_shared>>, %arg17: memref<!tpu.dma_semaphore, #tpu.memory_space<semaphore_mem>>, %arg18: memref<!tpu.dma_semaphore, #tpu.memory_space<semaphore_mem>>, %arg19: memref<!tpu.dma_semaphore, #tpu.memory_space<semaphore_mem>>, %arg20: memref<!tpu.dma_semaphore, #tpu.memory_space<semaphore_mem>>, %arg21: memref<!tpu.dma_semaphore, #tpu.memory_space<semaphore_mem>>, %arg22: memref<!tpu.dma_semaphore, #tpu.memory_space<semaphore_mem>>) attributes {dimension_semantics = [#tpu.dimension_semantics<core_parallel>, #tpu.dimension_semantics<subcore_parallel>], iteration_bounds = array<i64: 2, 16>, scalar_prefetch = 0 : i64, scratch_operands = 17 : i64, tpu.core_type = #tpu.core_type<sc_vector_subcore>, window_params = [{transform_indices = #map}, {transform_indices = #map}, {transform_indices = #map1}, {transform_indices = #map1}]} {
    %mul3A = arith.constant 16 : i32
    %mul3A_0 = arith.muli %arg0, %mul3A : i32
    %add3A = arith.addi %mul3A_0, %arg1 : i32
    %scan3A = arith.constant 0 : i32
    %scan3A_1 = arith.constant 0 : i32
    %scan3A_2 = arith.constant 40 : i32
    %scan3A_3 = arith.addi %scan3A_1, %scan3A_2 : i32
    %scan3A_4 = arith.constant 1 : i32
    scf.for %scan3A_228 = %scan3A_1 to %scan3A_3 step %scan3A_4  : i32 {
      %broadcast_in_dim3A = arith.constant 0.000000e+00 : f32
      %broadcast_in_dim3A_229 = vector.broadcast %broadcast_in_dim3A : f32 to vector<16xf32>
      %swap3A = arith.index_cast %scan3A_228 : i32 to index
      %swap3A_230 = arith.constant 0 : index
      %swap3A_231 = tpu.vector_load %arg8[%swap3A, %swap3A_230] {strides = array<i32>} : memref<40x128xf32, #tpu.memory_space<vmem>>, vector<1x16xf32>,
      %swap3A_232 = vector.shape_cast %swap3A_231 : vector<1x16xf32> to vector<16xf32>
      %swap3A_233 = vector.shape_cast %broadcast_in_dim3A_229 : vector<16xf32> to vector<1x16xf32>
      tpu.vector_store %arg8[%swap3A, %swap3A_230], %swap3A_233 {strides = array<i32>} : memref<40x128xf32, #tpu.memory_space<vmem>>, vector<1x16xf32>,
      %broadcast_in_dim3A_234 = arith.constant 0.000000e+00 : f32
      %broadcast_in_dim3A_235 = vector.broadcast %broadcast_in_dim3A_234 : f32 to vector<16xf32>
      %swap3A_236 = arith.index_cast %scan3A_228 : i32 to index
      %swap3A_237 = arith.constant 16 : index
      %swap3A_238 = tpu.vector_load %arg8[%swap3A_236, %swap3A_237] {strides = array<i32>} : memref<40x128xf32, #tpu.memory_space<vmem>>, vector<1x16xf32>,
      %swap3A_239 = vector.shape_cast %swap3A_238 : vector<1x16xf32> to vector<16xf32>
      %swap3A_240 = vector.shape_cast %broadcast_in_dim3A_235 : vector<16xf32> to vector<1x16xf32>
      tpu.vector_store %arg8[%swap3A_236, %swap3A_237], %swap3A_240 {strides = array<i32>} : memref<40x128xf32, #tpu.memory_space<vmem>>, vector<1x16xf32>,
      %broadcast_in_dim3A_241 = arith.constant 0.000000e+00 : f32
      %broadcast_in_dim3A_242 = vector.broadcast %broadcast_in_dim3A_241 : f32 to vector<16xf32>
      %swap3A_243 = arith.index_cast %scan3A_228 : i32 to index
      %swap3A_244 = arith.constant 32 : index
      %swap3A_245 = tpu.vector_load %arg8[%swap3A_243, %swap3A_244] {strides = array<i32>} : memref<40x128xf32, #tpu.memory_space<vmem>>, vector<1x16xf32>,
      %swap3A_246 = vector.shape_cast %swap3A_245 : vector<1x16xf32> to vector<16xf32>
      %swap3A_247 = vector.shape_cast %broadcast_in_dim3A_242 : vector<16xf32> to vector<1x16xf32>
      tpu.vector_store %arg8[%swap3A_243, %swap3A_244], %swap3A_247 {strides = array<i32>} : memref<40x128xf32, #tpu.memory_space<vmem>>, vector<1x16xf32>,
      %broadcast_in_dim3A_248 = arith.constant 0.000000e+00 : f32
      %broadcast_in_dim3A_249 = vector.broadcast %broadcast_in_dim3A_248 : f32 to vector<16xf32>
      %swap3A_250 = arith.index_cast %scan3A_228 : i32 to index
      %swap3A_251 = arith.constant 48 : index
      %swap3A_252 = tpu.vector_load %arg8[%swap3A_250, %swap3A_251] {strides = array<i32>} : memref<40x128xf32, #tpu.memory_space<vmem>>, vector<1x16xf32>,
      %swap3A_253 = vector.shape_cast %swap3A_252 : vector<1x16xf32> to vector<16xf32>
      %swap3A_254 = vector.shape_cast %broadcast_in_dim3A_249 : vector<16xf32> to vector<1x16xf32>
      tpu.vector_store %arg8[%swap3A_250, %swap3A_251], %swap3A_254 {strides = array<i32>} : memref<40x128xf32, #tpu.memory_space<vmem>>, vector<1x16xf32>,
      %broadcast_in_dim3A_255 = arith.constant 0.000000e+00 : f32
      %broadcast_in_dim3A_256 = vector.broadcast %broadcast_in_dim3A_255 : f32 to vector<16xf32>
      %swap3A_257 = arith.index_cast %scan3A_228 : i32 to index
      %swap3A_258 = arith.constant 64 : index
      %swap3A_259 = tpu.vector_load %arg8[%swap3A_257, %swap3A_258] {strides = array<i32>} : memref<40x128xf32, #tpu.memory_space<vmem>>, vector<1x16xf32>,
      %swap3A_260 = vector.shape_cast %swap3A_259 : vector<1x16xf32> to vector<16xf32>
      %swap3A_261 = vector.shape_cast %broadcast_in_dim3A_256 : vector<16xf32> to vector<1x16xf32>
      tpu.vector_store %arg8[%swap3A_257, %swap3A_258], %swap3A_261 {strides = array<i32>} : memref<40x128xf32, #tpu.memory_space<vmem>>, vector<1x16xf32>,
      %broadcast_in_dim3A_262 = arith.constant 0.000000e+00 : f32
      %broadcast_in_dim3A_263 = vector.broadcast %broadcast_in_dim3A_262 : f32 to vector<16xf32>
      %swap3A_264 = arith.index_cast %scan3A_228 : i32 to index
      %swap3A_265 = arith.constant 80 : index
      %swap3A_266 = tpu.vector_load %arg8[%swap3A_264, %swap3A_265] {strides = array<i32>} : memref<40x128xf32, #tpu.memory_space<vmem>>, vector<1x16xf32>,
      %swap3A_267 = vector.shape_cast %swap3A_266 : vector<1x16xf32> to vector<16xf32>
      %swap3A_268 = vector.shape_cast %broadcast_in_dim3A_263 : vector<16xf32> to vector<1x16xf32>
      tpu.vector_store %arg8[%swap3A_264, %swap3A_265], %swap3A_268 {strides = array<i32>} : memref<40x128xf32, #tpu.memory_space<vmem>>, vector<1x16xf32>,
      %broadcast_in_dim3A_269 = arith.constant 0.000000e+00 : f32
      %broadcast_in_dim3A_270 = vector.broadcast %broadcast_in_dim3A_269 : f32 to vector<16xf32>
      %swap3A_271 = arith.index_cast %scan3A_228 : i32 to index
      %swap3A_272 = arith.constant 96 : index
      %swap3A_273 = tpu.vector_load %arg8[%swap3A_271, %swap3A_272] {strides = array<i32>} : memref<40x128xf32, #tpu.memory_space<vmem>>, vector<1x16xf32>,
      %swap3A_274 = vector.shape_cast %swap3A_273 : vector<1x16xf32> to vector<16xf32>
      %swap3A_275 = vector.shape_cast %broadcast_in_dim3A_270 : vector<16xf32> to vector<1x16xf32>
      tpu.vector_store %arg8[%swap3A_271, %swap3A_272], %swap3A_275 {strides = array<i32>} : memref<40x128xf32, #tpu.memory_space<vmem>>, vector<1x16xf32>,
      %broadcast_in_dim3A_276 = arith.constant 0.000000e+00 : f32
      %broadcast_in_dim3A_277 = vector.broadcast %broadcast_in_dim3A_276 : f32 to vector<16xf32>
      %swap3A_278 = arith.index_cast %scan3A_228 : i32 to index
      %swap3A_279 = arith.constant 112 : index
      %swap3A_280 = tpu.vector_load %arg8[%swap3A_278, %swap3A_279] {strides = array<i32>} : memref<40x128xf32, #tpu.memory_space<vmem>>, vector<1x16xf32>,
      %swap3A_281 = vector.shape_cast %swap3A_280 : vector<1x16xf32> to vector<16xf32>
      %swap3A_282 = vector.shape_cast %broadcast_in_dim3A_277 : vector<16xf32> to vector<1x16xf32>
      tpu.vector_store %arg8[%swap3A_278, %swap3A_279], %swap3A_282 {strides = array<i32>} : memref<40x128xf32, #tpu.memory_space<vmem>>, vector<1x16xf32>,
      %broadcast_in_dim3A_283 = arith.constant 1.000000e+00 : f32
      %broadcast_in_dim3A_284 = vector.broadcast %broadcast_in_dim3A_283 : f32 to vector<16xf32>
      %swap3A_285 = arith.index_cast %scan3A_228 : i32 to index
      %swap3A_286 = arith.constant 0 : index
      %swap3A_287 = tpu.vector_load %arg13[%swap3A_285, %swap3A_286] {strides = array<i32>} : memref<40x16xf32, #tpu.memory_space<vmem>>, vector<1x16xf32>,
      %swap3A_288 = vector.shape_cast %swap3A_287 : vector<1x16xf32> to vector<16xf32>
      %swap3A_289 = vector.shape_cast %broadcast_in_dim3A_284 : vector<16xf32> to vector<1x16xf32>
      tpu.vector_store %arg13[%swap3A_285, %swap3A_286], %swap3A_289 {strides = array<i32>} : memref<40x16xf32, #tpu.memory_space<vmem>>, vector<1x16xf32>,
    }
    %scan3A_5 = arith.constant 40 : i32
    %scan3A_6 = arith.constant 0 : i32
    %scan3A_7 = arith.constant 0 : i32
    %scan3A_8 = arith.constant 100 : i32
    %scan3A_9 = arith.addi %scan3A_7, %scan3A_8 : i32
    %scan3A_10 = arith.constant 1 : i32
    scf.for %scan3A_228 = %scan3A_7 to %scan3A_9 step %scan3A_10  : i32 {
      %broadcast_in_dim3A = arith.constant 0.000000e+00 : f32
      %broadcast_in_dim3A_229 = vector.broadcast %broadcast_in_dim3A : f32 to vector<16xf32>
      %swap3A = arith.index_cast %scan3A_228 : i32 to index
      %swap3A_230 = arith.constant 0 : index
      %swap3A_231 = tpu.vector_load %arg14[%swap3A, %swap3A_230] {strides = array<i32>} : memref<100x16xf32, #tpu.memory_space<vmem>>, vector<1x16xf32>,
      %swap3A_232 = vector.shape_cast %swap3A_231 : vector<1x16xf32> to vector<16xf32>
      %swap3A_233 = vector.shape_cast %broadcast_in_dim3A_229 : vector<16xf32> to vector<1x16xf32>
      tpu.vector_store %arg14[%swap3A, %swap3A_230], %swap3A_233 {strides = array<i32>} : memref<100x16xf32, #tpu.memory_space<vmem>>, vector<1x16xf32>,
    }
    %scan3A_11 = arith.constant 100 : i32
    %scan3A_12 = arith.constant 0 : i32
    %scan3A_13 = arith.constant 0 : i32
    %scan3A_14 = arith.constant 16 : i32
    %scan3A_15 = arith.addi %scan3A_13, %scan3A_14 : i32
    %scan3A_16 = arith.constant 1 : i32
    scf.for %scan3A_228 = %scan3A_13 to %scan3A_15 step %scan3A_16  : i32 {
      %mul3A_229 = arith.constant 16 : i32
      %mul3A_230 = arith.muli %scan3A_228, %mul3A_229 : i32
      %add3A_231 = arith.addi %mul3A_230, %arg1 : i32
      %lt3A = arith.constant 250 : i32
      %lt3A_232 = arith.cmpi slt, %add3A_231, %lt3A : i32
      %convert_element_type3A = arith.extui %lt3A_232 : i1 to i32
      %cond3A = arith.constant 0 : i32
      %cond3A_233 = arith.cmpi ne, %convert_element_type3A, %cond3A : i32
      scf.if %cond3A_233 {
        %mul3A_234 = arith.constant 40 : i32
        %mul3A_235 = arith.muli %add3A_231, %mul3A_234 : i32
        "tpu.region"() ({
          %run_scoped3A_236 = tpu.sem_alloc : memref<!tpu.dma_semaphore, #tpu.memory_space<semaphore_mem>>
          %dma_start3A_237 = arith.constant 0 : i32
          %dma_start3A_238 = tpu.memref_slice %arg15[%mul3A_235, %dma_start3A_237] : memref<10000x128xf32, #tpu.memory_space<vmem_shared>> -> memref<40x128xf32, #tpu.memory_space<vmem_shared>>
          %dma_start3A_239 = arith.constant 0 : i32
          %dma_start3A_240 = tpu.memref_slice %arg15[%mul3A_235, %dma_start3A_239] : memref<10000x128xf32, #tpu.memory_space<vmem_shared>> -> memref<40x128xf32, #tpu.memory_space<vmem_shared>>
          tpu.enqueue_dma source(%arg8 : memref<40x128xf32, #tpu.memory_space<vmem>>) target(%dma_start3A_240 : memref<40x128xf32, #tpu.memory_space<vmem_shared>>) target_semaphore(%run_scoped3A_236 : memref<!tpu.dma_semaphore, #tpu.memory_space<semaphore_mem>>)
          %dma_wait3A_241 = arith.constant 0 : i32
          %dma_wait3A_242 = tpu.memref_slice %arg15[%mul3A_235, %dma_wait3A_241] : memref<10000x128xf32, #tpu.memory_space<vmem_shared>> -> memref<40x128xf32, #tpu.memory_space<vmem_shared>>
          %dma_wait3A_243 = arith.constant 0 : i32
          %dma_wait3A_244 = tpu.memref_slice %arg15[%mul3A_235, %dma_wait3A_243] : memref<10000x128xf32, #tpu.memory_space<vmem_shared>> -> memref<40x128xf32, #tpu.memory_space<vmem_shared>>
          tpu.wait_dma2 semaphore(%run_scoped3A_236 : memref<!tpu.dma_semaphore, #tpu.memory_space<semaphore_mem>>) src(%arg8 : memref<40x128xf32, #tpu.memory_space<vmem>>) dst(%dma_wait3A_244 : memref<40x128xf32, #tpu.memory_space<vmem_shared>>)
          tpu.yield
        }) : () -> ()
      } else {
      }
    }
    %scan3A_17 = arith.constant 16 : i32
    %scan3A_18 = arith.constant 0 : i32
    %scan3A_19 = arith.constant 0 : i32
    %scan3A_20 = arith.constant 7 : i32
    %scan3A_21 = arith.addi %scan3A_19, %scan3A_20 : i32
    %scan3A_22 = arith.constant 1 : i32
    scf.for %scan3A_228 = %scan3A_19 to %scan3A_21 step %scan3A_22  : i32 {
      %mul3A_229 = arith.constant 16 : i32
      %mul3A_230 = arith.muli %scan3A_228, %mul3A_229 : i32
      %add3A_231 = arith.addi %mul3A_230, %arg1 : i32
      %lt3A = arith.constant 100 : i32
      %lt3A_232 = arith.cmpi slt, %add3A_231, %lt3A : i32
      %convert_element_type3A = arith.extui %lt3A_232 : i1 to i32
      %cond3A = arith.constant 0 : i32
      %cond3A_233 = arith.cmpi ne, %convert_element_type3A, %cond3A : i32
      scf.if %cond3A_233 {
        %mul3A_234 = arith.constant 100 : i32
        %mul3A_235 = arith.muli %add3A_231, %mul3A_234 : i32
        "tpu.region"() ({
          %run_scoped3A_236 = tpu.sem_alloc : memref<!tpu.dma_semaphore, #tpu.memory_space<semaphore_mem>>
          %dma_start3A_237 = arith.constant 0 : i32
          %dma_start3A_238 = tpu.memref_slice %arg16[%mul3A_235, %dma_start3A_237] : memref<10000x16xf32, #tpu.memory_space<vmem_shared>> -> memref<100x16xf32, #tpu.memory_space<vmem_shared>>
          %dma_start3A_239 = arith.constant 0 : i32
          %dma_start3A_240 = tpu.memref_slice %arg16[%mul3A_235, %dma_start3A_239] : memref<10000x16xf32, #tpu.memory_space<vmem_shared>> -> memref<100x16xf32, #tpu.memory_space<vmem_shared>>
          tpu.enqueue_dma source(%arg14 : memref<100x16xf32, #tpu.memory_space<vmem>>) target(%dma_start3A_240 : memref<100x16xf32, #tpu.memory_space<vmem_shared>>) target_semaphore(%run_scoped3A_236 : memref<!tpu.dma_semaphore, #tpu.memory_space<semaphore_mem>>)
          %dma_wait3A_241 = arith.constant 0 : i32
          %dma_wait3A_242 = tpu.memref_slice %arg16[%mul3A_235, %dma_wait3A_241] : memref<10000x16xf32, #tpu.memory_space<vmem_shared>> -> memref<100x16xf32, #tpu.memory_space<vmem_shared>>
          %dma_wait3A_243 = arith.constant 0 : i32
          %dma_wait3A_244 = tpu.memref_slice %arg16[%mul3A_235, %dma_wait3A_243] : memref<10000x16xf32, #tpu.memory_space<vmem_shared>> -> memref<100x16xf32, #tpu.memory_space<vmem_shared>>
          tpu.wait_dma2 semaphore(%run_scoped3A_236 : memref<!tpu.dma_semaphore, #tpu.memory_space<semaphore_mem>>) src(%arg14 : memref<100x16xf32, #tpu.memory_space<vmem>>) dst(%dma_wait3A_244 : memref<100x16xf32, #tpu.memory_space<vmem_shared>>)
          tpu.yield
        }) : () -> ()
      } else {
      }
    }
    %scan3A_23 = arith.constant 7 : i32
    %barrier3A = arith.constant 0 : index
    tpu.barrier barrier_id(%barrier3A)
    %mul3A_24 = arith.constant 10000 : i32
    %mul3A_25 = arith.muli %add3A, %mul3A_24 : i32
    %add3A_26 = arith.constant 0 : i32
    %add3A_27 = arith.addi %mul3A_25, %add3A_26 : i32
    %run_scoped3A = arith.constant 0 : i32
    "tpu.region"() ({
      %run_scoped3A_228 = tpu.sem_alloc : memref<!tpu.dma_semaphore, #tpu.memory_space<semaphore_mem>>
      %dma_start3A_229 = tpu.memref_slice %arg3[%run_scoped3A, %add3A_27] : memref<2x320000xi32, #tpu.memory_space<hbm>> -> memref<1x5000xi32, #tpu.memory_space<hbm>>
      %dma_start3A_230 = tpu.memref_squeeze %dma_start3A_229 : memref<1x5000xi32, #tpu.memory_space<hbm>> -> memref<5000xi32, #tpu.memory_space<hbm>>
      %dma_start3A_231 = tpu.memref_slice %arg3[%run_scoped3A, %add3A_27] : memref<2x320000xi32, #tpu.memory_space<hbm>> -> memref<1x5000xi32, #tpu.memory_space<hbm>>
      %dma_start3A_232 = tpu.memref_squeeze %dma_start3A_231 : memref<1x5000xi32, #tpu.memory_space<hbm>> -> memref<5000xi32, #tpu.memory_space<hbm>>
      tpu.enqueue_dma source(%dma_start3A_232 : memref<5000xi32, #tpu.memory_space<hbm>>) target(%arg6 : memref<5000xi32, #tpu.memory_space<vmem>>) target_semaphore(%run_scoped3A_228 : memref<!tpu.dma_semaphore, #tpu.memory_space<semaphore_mem>>)
      %dma_wait3A_233 = tpu.memref_slice %arg3[%run_scoped3A, %add3A_27] : memref<2x320000xi32, #tpu.memory_space<hbm>> -> memref<1x5000xi32, #tpu.memory_space<hbm>>
      %dma_wait3A_234 = tpu.memref_squeeze %dma_wait3A_233 : memref<1x5000xi32, #tpu.memory_space<hbm>> -> memref<5000xi32, #tpu.memory_space<hbm>>
      %dma_wait3A_235 = tpu.memref_slice %arg3[%run_scoped3A, %add3A_27] : memref<2x320000xi32, #tpu.memory_space<hbm>> -> memref<1x5000xi32, #tpu.memory_space<hbm>>
      %dma_wait3A_236 = tpu.memref_squeeze %dma_wait3A_235 : memref<1x5000xi32, #tpu.memory_space<hbm>> -> memref<5000xi32, #tpu.memory_space<hbm>>
      tpu.wait_dma2 semaphore(%run_scoped3A_228 : memref<!tpu.dma_semaphore, #tpu.memory_space<semaphore_mem>>) src(%dma_wait3A_236 : memref<5000xi32, #tpu.memory_space<hbm>>) dst(%arg6 : memref<5000xi32, #tpu.memory_space<vmem>>)
      tpu.yield
    }) : () -> ()
    %mul3A_28 = arith.constant 10000 : i32
    %mul3A_29 = arith.muli %add3A, %mul3A_28 : i32
    %add3A_30 = arith.constant 0 : i32
    %add3A_31 = arith.addi %mul3A_29, %add3A_30 : i32
    %run_scoped3A_32 = arith.constant 1 : i32
    "tpu.region"() ({
      %run_scoped3A_228 = tpu.sem_alloc : memref<!tpu.dma_semaphore, #tpu.memory_space<semaphore_mem>>
      %dma_start3A_229 = tpu.memref_slice %arg3[%run_scoped3A_32, %add3A_31] : memref<2x320000xi32, #tpu.memory_space<hbm>> -> memref<1x5000xi32, #tpu.memory_space<hbm>>
      %dma_start3A_230 = tpu.memref_squeeze %dma_start3A_229 : memref<1x5000xi32, #tpu.memory_space<hbm>> -> memref<5000xi32, #tpu.memory_space<hbm>>
      %dma_start3A_231 = tpu.memref_slice %arg3[%run_scoped3A_32, %add3A_31] : memref<2x320000xi32, #tpu.memory_space<hbm>> -> memref<1x5000xi32, #tpu.memory_space<hbm>>
      %dma_start3A_232 = tpu.memref_squeeze %dma_start3A_231 : memref<1x5000xi32, #tpu.memory_space<hbm>> -> memref<5000xi32, #tpu.memory_space<hbm>>
      tpu.enqueue_dma source(%dma_start3A_232 : memref<5000xi32, #tpu.memory_space<hbm>>) target(%arg7 : memref<5000xi32, #tpu.memory_space<vmem>>) target_semaphore(%run_scoped3A_228 : memref<!tpu.dma_semaphore, #tpu.memory_space<semaphore_mem>>)
      %dma_wait3A_233 = tpu.memref_slice %arg3[%run_scoped3A_32, %add3A_31] : memref<2x320000xi32, #tpu.memory_space<hbm>> -> memref<1x5000xi32, #tpu.memory_space<hbm>>
      %dma_wait3A_234 = tpu.memref_squeeze %dma_wait3A_233 : memref<1x5000xi32, #tpu.memory_space<hbm>> -> memref<5000xi32, #tpu.memory_space<hbm>>
      %dma_wait3A_235 = tpu.memref_slice %arg3[%run_scoped3A_32, %add3A_31] : memref<2x320000xi32, #tpu.memory_space<hbm>> -> memref<1x5000xi32, #tpu.memory_space<hbm>>
      %dma_wait3A_236 = tpu.memref_squeeze %dma_wait3A_235 : memref<1x5000xi32, #tpu.memory_space<hbm>> -> memref<5000xi32, #tpu.memory_space<hbm>>
      tpu.wait_dma2 semaphore(%run_scoped3A_228 : memref<!tpu.dma_semaphore, #tpu.memory_space<semaphore_mem>>) src(%dma_wait3A_236 : memref<5000xi32, #tpu.memory_space<hbm>>) dst(%arg7 : memref<5000xi32, #tpu.memory_space<vmem>>)
      tpu.yield
    }) : () -> ()
    %dma_start3A = arith.constant 0 : i32
    %dma_start3A_33 = tpu.memref_slice %arg6[%dma_start3A] : memref<5000xi32, #tpu.memory_space<vmem>> -> memref<40xi32, #tpu.memory_space<vmem>>
    %dma_start3A_34 = arith.constant 0 : i32
    %dma_start3A_35 = arith.constant 0 : i32
    %dma_start3A_36 = tpu.memref_slice %arg2[%dma_start3A_34, %dma_start3A_35] : memref<10000x128xf32, #tpu.memory_space<hbm>> -> memref<10000x128xf32, #tpu.memory_space<hbm>>
    tpu.enqueue_indirect_dma source(%dma_start3A_36 : memref<10000x128xf32, #tpu.memory_space<hbm>>) target(%arg8 : memref<40x128xf32, #tpu.memory_space<vmem>>) offsets(%dma_start3A_33 : memref<40xi32, #tpu.memory_space<vmem>>) semaphore(%arg17 : memref<!tpu.dma_semaphore, #tpu.memory_space<semaphore_mem>>)
    %dma_start3A_37 = arith.constant 0 : i32
    %dma_start3A_38 = tpu.memref_slice %arg7[%dma_start3A_37] : memref<5000xi32, #tpu.memory_space<vmem>> -> memref<40xi32, #tpu.memory_space<vmem>>
    %dma_start3A_39 = arith.constant 0 : i32
    %dma_start3A_40 = arith.constant 0 : i32
    %dma_start3A_41 = tpu.memref_slice %arg16[%dma_start3A_39, %dma_start3A_40] : memref<10000x16xf32, #tpu.memory_space<vmem_shared>> -> memref<10000x16xf32, #tpu.memory_space<vmem_shared>>
    tpu.enqueue_indirect_dma source(%arg13 : memref<40x16xf32, #tpu.memory_space<vmem>>) target(%dma_start3A_41 : memref<10000x16xf32, #tpu.memory_space<vmem_shared>>) offsets(%dma_start3A_38 : memref<40xi32, #tpu.memory_space<vmem>>) semaphore(%arg22 : memref<!tpu.dma_semaphore, #tpu.memory_space<semaphore_mem>>) {add = true}
    %dma_start3A_42 = arith.constant 40 : i32
    %dma_start3A_43 = tpu.memref_slice %arg6[%dma_start3A_42] : memref<5000xi32, #tpu.memory_space<vmem>> -> memref<40xi32, #tpu.memory_space<vmem>>
    %dma_start3A_44 = arith.constant 0 : i32
    %dma_start3A_45 = arith.constant 0 : i32
    %dma_start3A_46 = tpu.memref_slice %arg2[%dma_start3A_44, %dma_start3A_45] : memref<10000x128xf32, #tpu.memory_space<hbm>> -> memref<10000x128xf32, #tpu.memory_space<hbm>>
    tpu.enqueue_indirect_dma source(%dma_start3A_46 : memref<10000x128xf32, #tpu.memory_space<hbm>>) target(%arg9 : memref<40x128xf32, #tpu.memory_space<vmem>>) offsets(%dma_start3A_43 : memref<40xi32, #tpu.memory_space<vmem>>) semaphore(%arg18 : memref<!tpu.dma_semaphore, #tpu.memory_space<semaphore_mem>>)
    %dma_start3A_47 = arith.constant 40 : i32
    %dma_start3A_48 = tpu.memref_slice %arg7[%dma_start3A_47] : memref<5000xi32, #tpu.memory_space<vmem>> -> memref<40xi32, #tpu.memory_space<vmem>>
    %dma_start3A_49 = arith.constant 0 : i32
    %dma_start3A_50 = arith.constant 0 : i32
    %dma_start3A_51 = tpu.memref_slice %arg16[%dma_start3A_49, %dma_start3A_50] : memref<10000x16xf32, #tpu.memory_space<vmem_shared>> -> memref<10000x16xf32, #tpu.memory_space<vmem_shared>>
    tpu.enqueue_indirect_dma source(%arg13 : memref<40x16xf32, #tpu.memory_space<vmem>>) target(%dma_start3A_51 : memref<10000x16xf32, #tpu.memory_space<vmem_shared>>) offsets(%dma_start3A_48 : memref<40xi32, #tpu.memory_space<vmem>>) semaphore(%arg22 : memref<!tpu.dma_semaphore, #tpu.memory_space<semaphore_mem>>) {add = true}
    %dma_start3A_52 = arith.constant 80 : i32
    %dma_start3A_53 = tpu.memref_slice %arg6[%dma_start3A_52] : memref<5000xi32, #tpu.memory_space<vmem>> -> memref<40xi32, #tpu.memory_space<vmem>>
    %dma_start3A_54 = arith.constant 0 : i32
    %dma_start3A_55 = arith.constant 0 : i32
    %dma_start3A_56 = tpu.memref_slice %arg2[%dma_start3A_54, %dma_start3A_55] : memref<10000x128xf32, #tpu.memory_space<hbm>> -> memref<10000x128xf32, #tpu.memory_space<hbm>>
    tpu.enqueue_indirect_dma source(%dma_start3A_56 : memref<10000x128xf32, #tpu.memory_space<hbm>>) target(%arg10 : memref<40x128xf32, #tpu.memory_space<vmem>>) offsets(%dma_start3A_53 : memref<40xi32, #tpu.memory_space<vmem>>) semaphore(%arg19 : memref<!tpu.dma_semaphore, #tpu.memory_space<semaphore_mem>>)
    %dma_start3A_57 = arith.constant 80 : i32
    %dma_start3A_58 = tpu.memref_slice %arg7[%dma_start3A_57] : memref<5000xi32, #tpu.memory_space<vmem>> -> memref<40xi32, #tpu.memory_space<vmem>>
    %dma_start3A_59 = arith.constant 0 : i32
    %dma_start3A_60 = arith.constant 0 : i32
    %dma_start3A_61 = tpu.memref_slice %arg16[%dma_start3A_59, %dma_start3A_60] : memref<10000x16xf32, #tpu.memory_space<vmem_shared>> -> memref<10000x16xf32, #tpu.memory_space<vmem_shared>>
    tpu.enqueue_indirect_dma source(%arg13 : memref<40x16xf32, #tpu.memory_space<vmem>>) target(%dma_start3A_61 : memref<10000x16xf32, #tpu.memory_space<vmem_shared>>) offsets(%dma_start3A_58 : memref<40xi32, #tpu.memory_space<vmem>>) semaphore(%arg22 : memref<!tpu.dma_semaphore, #tpu.memory_space<semaphore_mem>>) {add = true}
    %dma_start3A_62 = arith.constant 120 : i32
    %dma_start3A_63 = tpu.memref_slice %arg6[%dma_start3A_62] : memref<5000xi32, #tpu.memory_space<vmem>> -> memref<40xi32, #tpu.memory_space<vmem>>
    %dma_start3A_64 = arith.constant 0 : i32
    %dma_start3A_65 = arith.constant 0 : i32
    %dma_start3A_66 = tpu.memref_slice %arg2[%dma_start3A_64, %dma_start3A_65] : memref<10000x128xf32, #tpu.memory_space<hbm>> -> memref<10000x128xf32, #tpu.memory_space<hbm>>
    tpu.enqueue_indirect_dma source(%dma_start3A_66 : memref<10000x128xf32, #tpu.memory_space<hbm>>) target(%arg11 : memref<40x128xf32, #tpu.memory_space<vmem>>) offsets(%dma_start3A_63 : memref<40xi32, #tpu.memory_space<vmem>>) semaphore(%arg20 : memref<!tpu.dma_semaphore, #tpu.memory_space<semaphore_mem>>)
    %dma_start3A_67 = arith.constant 120 : i32
    %dma_start3A_68 = tpu.memref_slice %arg7[%dma_start3A_67] : memref<5000xi32, #tpu.memory_space<vmem>> -> memref<40xi32, #tpu.memory_space<vmem>>
    %dma_start3A_69 = arith.constant 0 : i32
    %dma_start3A_70 = arith.constant 0 : i32
    %dma_start3A_71 = tpu.memref_slice %arg16[%dma_start3A_69, %dma_start3A_70] : memref<10000x16xf32, #tpu.memory_space<vmem_shared>> -> memref<10000x16xf32, #tpu.memory_space<vmem_shared>>
    tpu.enqueue_indirect_dma source(%arg13 : memref<40x16xf32, #tpu.memory_space<vmem>>) target(%dma_start3A_71 : memref<10000x16xf32, #tpu.memory_space<vmem_shared>>) offsets(%dma_start3A_68 : memref<40xi32, #tpu.memory_space<vmem>>) semaphore(%arg22 : memref<!tpu.dma_semaphore, #tpu.memory_space<semaphore_mem>>) {add = true}
    %dma_start3A_72 = arith.constant 160 : i32
    %dma_start3A_73 = tpu.memref_slice %arg6[%dma_start3A_72] : memref<5000xi32, #tpu.memory_space<vmem>> -> memref<40xi32, #tpu.memory_space<vmem>>
    %dma_start3A_74 = arith.constant 0 : i32
    %dma_start3A_75 = arith.constant 0 : i32
    %dma_start3A_76 = tpu.memref_slice %arg2[%dma_start3A_74, %dma_start3A_75] : memref<10000x128xf32, #tpu.memory_space<hbm>> -> memref<10000x128xf32, #tpu.memory_space<hbm>>
    tpu.enqueue_indirect_dma source(%dma_start3A_76 : memref<10000x128xf32, #tpu.memory_space<hbm>>) target(%arg12 : memref<40x128xf32, #tpu.memory_space<vmem>>) offsets(%dma_start3A_73 : memref<40xi32, #tpu.memory_space<vmem>>) semaphore(%arg21 : memref<!tpu.dma_semaphore, #tpu.memory_space<semaphore_mem>>)
    %dma_start3A_77 = arith.constant 160 : i32
    %dma_start3A_78 = tpu.memref_slice %arg7[%dma_start3A_77] : memref<5000xi32, #tpu.memory_space<vmem>> -> memref<40xi32, #tpu.memory_space<vmem>>
    %dma_start3A_79 = arith.constant 0 : i32
    %dma_start3A_80 = arith.constant 0 : i32
    %dma_start3A_81 = tpu.memref_slice %arg16[%dma_start3A_79, %dma_start3A_80] : memref<10000x16xf32, #tpu.memory_space<vmem_shared>> -> memref<10000x16xf32, #tpu.memory_space<vmem_shared>>
    tpu.enqueue_indirect_dma source(%arg13 : memref<40x16xf32, #tpu.memory_space<vmem>>) target(%dma_start3A_81 : memref<10000x16xf32, #tpu.memory_space<vmem_shared>>) offsets(%dma_start3A_78 : memref<40xi32, #tpu.memory_space<vmem>>) semaphore(%arg22 : memref<!tpu.dma_semaphore, #tpu.memory_space<semaphore_mem>>) {add = true}
    %scan3A_82 = arith.constant 0 : i32
    %scan3A_83 = arith.constant 0 : i32
    %scan3A_84 = arith.constant 24 : i32
    %scan3A_85 = arith.addi %scan3A_83, %scan3A_84 : i32
    %scan3A_86 = arith.constant 1 : i32
    scf.for %scan3A_228 = %scan3A_83 to %scan3A_85 step %scan3A_86  : i32 {
      %mul3A_229 = arith.constant 5 : i32
      %mul3A_230 = arith.muli %scan3A_228, %mul3A_229 : i32
      %add3A_231 = arith.constant 0 : i32
      %add3A_232 = arith.addi %mul3A_230, %add3A_231 : i32
      %mul3A_233 = arith.constant 40 : i32
      %mul3A_234 = arith.muli %add3A_232, %mul3A_233 : i32
      %dma_wait3A_235 = tpu.memref_slice %arg6[%mul3A_234] : memref<5000xi32, #tpu.memory_space<vmem>> -> memref<40xi32, #tpu.memory_space<vmem>>
      %dma_wait3A_236 = arith.constant 0 : i32
      %dma_wait3A_237 = arith.constant 0 : i32
      %dma_wait3A_238 = tpu.memref_slice %arg2[%dma_wait3A_236, %dma_wait3A_237] : memref<10000x128xf32, #tpu.memory_space<hbm>> -> memref<10000x128xf32, #tpu.memory_space<hbm>>
      tpu.wait_indirect_dma semaphore(%arg17 : memref<!tpu.dma_semaphore, #tpu.memory_space<semaphore_mem>>) src(%dma_wait3A_238 : memref<10000x128xf32, #tpu.memory_space<hbm>>) dst(%arg8 : memref<40x128xf32, #tpu.memory_space<vmem>>)
      %mul3A_239 = arith.constant 40 : i32
      %mul3A_240 = arith.muli %add3A_232, %mul3A_239 : i32
      "tpu.region"() ({
        %run_scoped3A_369 = tpu.sem_alloc : memref<!tpu.dma_semaphore, #tpu.memory_space<semaphore_mem>>
        %dma_start3A_370 = tpu.memref_slice %arg7[%mul3A_240] : memref<5000xi32, #tpu.memory_space<vmem>> -> memref<40xi32, #tpu.memory_space<vmem>>
        %dma_start3A_371 = arith.constant 0 : i32
        %dma_start3A_372 = arith.constant 0 : i32
        %dma_start3A_373 = tpu.memref_slice %arg15[%dma_start3A_371, %dma_start3A_372] : memref<10000x128xf32, #tpu.memory_space<vmem_shared>> -> memref<10000x128xf32, #tpu.memory_space<vmem_shared>>
        tpu.enqueue_indirect_dma source(%arg8 : memref<40x128xf32, #tpu.memory_space<vmem>>) target(%dma_start3A_373 : memref<10000x128xf32, #tpu.memory_space<vmem_shared>>) offsets(%dma_start3A_370 : memref<40xi32, #tpu.memory_space<vmem>>) semaphore(%run_scoped3A_369 : memref<!tpu.dma_semaphore, #tpu.memory_space<semaphore_mem>>) {add = true}
        %dma_wait3A_374 = tpu.memref_slice %arg7[%mul3A_240] : memref<5000xi32, #tpu.memory_space<vmem>> -> memref<40xi32, #tpu.memory_space<vmem>>
        %dma_wait3A_375 = arith.constant 0 : i32
        %dma_wait3A_376 = arith.constant 0 : i32
        %dma_wait3A_377 = tpu.memref_slice %arg15[%dma_wait3A_375, %dma_wait3A_376] : memref<10000x128xf32, #tpu.memory_space<vmem_shared>> -> memref<10000x128xf32, #tpu.memory_space<vmem_shared>>
        tpu.wait_indirect_dma semaphore(%run_scoped3A_369 : memref<!tpu.dma_semaphore, #tpu.memory_space<semaphore_mem>>) src(%arg8 : memref<40x128xf32, #tpu.memory_space<vmem>>) dst(%dma_wait3A_377 : memref<10000x128xf32, #tpu.memory_space<vmem_shared>>)
        tpu.yield
      }) : () -> ()
      %add3A_241 = arith.constant 5 : i32
      %add3A_242 = arith.addi %add3A_232, %add3A_241 : i32
      %mul3A_243 = arith.constant 40 : i32
      %mul3A_244 = arith.muli %add3A_242, %mul3A_243 : i32
      %dma_start3A_245 = tpu.memref_slice %arg6[%mul3A_244] : memref<5000xi32, #tpu.memory_space<vmem>> -> memref<40xi32, #tpu.memory_space<vmem>>
      %dma_start3A_246 = arith.constant 0 : i32
      %dma_start3A_247 = arith.constant 0 : i32
      %dma_start3A_248 = tpu.memref_slice %arg2[%dma_start3A_246, %dma_start3A_247] : memref<10000x128xf32, #tpu.memory_space<hbm>> -> memref<10000x128xf32, #tpu.memory_space<hbm>>
      tpu.enqueue_indirect_dma source(%dma_start3A_248 : memref<10000x128xf32, #tpu.memory_space<hbm>>) target(%arg8 : memref<40x128xf32, #tpu.memory_space<vmem>>) offsets(%dma_start3A_245 : memref<40xi32, #tpu.memory_space<vmem>>) semaphore(%arg17 : memref<!tpu.dma_semaphore, #tpu.memory_space<semaphore_mem>>)
      %add3A_249 = arith.constant 5 : i32
      %add3A_250 = arith.addi %add3A_232, %add3A_249 : i32
      %mul3A_251 = arith.constant 40 : i32
      %mul3A_252 = arith.muli %add3A_250, %mul3A_251 : i32
      %dma_start3A_253 = tpu.memref_slice %arg7[%mul3A_252] : memref<5000xi32, #tpu.memory_space<vmem>> -> memref<40xi32, #tpu.memory_space<vmem>>
      %dma_start3A_254 = arith.constant 0 : i32
      %dma_start3A_255 = arith.constant 0 : i32
      %dma_start3A_256 = tpu.memref_slice %arg16[%dma_start3A_254, %dma_start3A_255] : memref<10000x16xf32, #tpu.memory_space<vmem_shared>> -> memref<10000x16xf32, #tpu.memory_space<vmem_shared>>
      tpu.enqueue_indirect_dma source(%arg13 : memref<40x16xf32, #tpu.memory_space<vmem>>) target(%dma_start3A_256 : memref<10000x16xf32, #tpu.memory_space<vmem_shared>>) offsets(%dma_start3A_253 : memref<40xi32, #tpu.memory_space<vmem>>) semaphore(%arg22 : memref<!tpu.dma_semaphore, #tpu.memory_space<semaphore_mem>>) {add = true}
      %mul3A_257 = arith.constant 5 : i32
      %mul3A_258 = arith.muli %scan3A_228, %mul3A_257 : i32
      %add3A_259 = arith.constant 1 : i32
      %add3A_260 = arith.addi %mul3A_258, %add3A_259 : i32
      %mul3A_261 = arith.constant 40 : i32
      %mul3A_262 = arith.muli %add3A_260, %mul3A_261 : i32
      %dma_wait3A_263 = tpu.memref_slice %arg6[%mul3A_262] : memref<5000xi32, #tpu.memory_space<vmem>> -> memref<40xi32, #tpu.memory_space<vmem>>
      %dma_wait3A_264 = arith.constant 0 : i32
      %dma_wait3A_265 = arith.constant 0 : i32
      %dma_wait3A_266 = tpu.memref_slice %arg2[%dma_wait3A_264, %dma_wait3A_265] : memref<10000x128xf32, #tpu.memory_space<hbm>> -> memref<10000x128xf32, #tpu.memory_space<hbm>>
      tpu.wait_indirect_dma semaphore(%arg18 : memref<!tpu.dma_semaphore, #tpu.memory_space<semaphore_mem>>) src(%dma_wait3A_266 : memref<10000x128xf32, #tpu.memory_space<hbm>>) dst(%arg9 : memref<40x128xf32, #tpu.memory_space<vmem>>)
      %mul3A_267 = arith.constant 40 : i32
      %mul3A_268 = arith.muli %add3A_260, %mul3A_267 : i32
      "tpu.region"() ({
        %run_scoped3A_369 = tpu.sem_alloc : memref<!tpu.dma_semaphore, #tpu.memory_space<semaphore_mem>>
        %dma_start3A_370 = tpu.memref_slice %arg7[%mul3A_268] : memref<5000xi32, #tpu.memory_space<vmem>> -> memref<40xi32, #tpu.memory_space<vmem>>
        %dma_start3A_371 = arith.constant 0 : i32
        %dma_start3A_372 = arith.constant 0 : i32
        %dma_start3A_373 = tpu.memref_slice %arg15[%dma_start3A_371, %dma_start3A_372] : memref<10000x128xf32, #tpu.memory_space<vmem_shared>> -> memref<10000x128xf32, #tpu.memory_space<vmem_shared>>
        tpu.enqueue_indirect_dma source(%arg9 : memref<40x128xf32, #tpu.memory_space<vmem>>) target(%dma_start3A_373 : memref<10000x128xf32, #tpu.memory_space<vmem_shared>>) offsets(%dma_start3A_370 : memref<40xi32, #tpu.memory_space<vmem>>) semaphore(%run_scoped3A_369 : memref<!tpu.dma_semaphore, #tpu.memory_space<semaphore_mem>>) {add = true}
        %dma_wait3A_374 = tpu.memref_slice %arg7[%mul3A_268] : memref<5000xi32, #tpu.memory_space<vmem>> -> memref<40xi32, #tpu.memory_space<vmem>>
        %dma_wait3A_375 = arith.constant 0 : i32
        %dma_wait3A_376 = arith.constant 0 : i32
        %dma_wait3A_377 = tpu.memref_slice %arg15[%dma_wait3A_375, %dma_wait3A_376] : memref<10000x128xf32, #tpu.memory_space<vmem_shared>> -> memref<10000x128xf32, #tpu.memory_space<vmem_shared>>
        tpu.wait_indirect_dma semaphore(%run_scoped3A_369 : memref<!tpu.dma_semaphore, #tpu.memory_space<semaphore_mem>>) src(%arg9 : memref<40x128xf32, #tpu.memory_space<vmem>>) dst(%dma_wait3A_377 : memref<10000x128xf32, #tpu.memory_space<vmem_shared>>)
        tpu.yield
      }) : () -> ()
      %add3A_269 = arith.constant 5 : i32
      %add3A_270 = arith.addi %add3A_260, %add3A_269 : i32
      %mul3A_271 = arith.constant 40 : i32
      %mul3A_272 = arith.muli %add3A_270, %mul3A_271 : i32
      %dma_start3A_273 = tpu.memref_slice %arg6[%mul3A_272] : memref<5000xi32, #tpu.memory_space<vmem>> -> memref<40xi32, #tpu.memory_space<vmem>>
      %dma_start3A_274 = arith.constant 0 : i32
      %dma_start3A_275 = arith.constant 0 : i32
      %dma_start3A_276 = tpu.memref_slice %arg2[%dma_start3A_274, %dma_start3A_275] : memref<10000x128xf32, #tpu.memory_space<hbm>> -> memref<10000x128xf32, #tpu.memory_space<hbm>>
      tpu.enqueue_indirect_dma source(%dma_start3A_276 : memref<10000x128xf32, #tpu.memory_space<hbm>>) target(%arg9 : memref<40x128xf32, #tpu.memory_space<vmem>>) offsets(%dma_start3A_273 : memref<40xi32, #tpu.memory_space<vmem>>) semaphore(%arg18 : memref<!tpu.dma_semaphore, #tpu.memory_space<semaphore_mem>>)
      %add3A_277 = arith.constant 5 : i32
      %add3A_278 = arith.addi %add3A_260, %add3A_277 : i32
      %mul3A_279 = arith.constant 40 : i32
      %mul3A_280 = arith.muli %add3A_278, %mul3A_279 : i32
      %dma_start3A_281 = tpu.memref_slice %arg7[%mul3A_280] : memref<5000xi32, #tpu.memory_space<vmem>> -> memref<40xi32, #tpu.memory_space<vmem>>
      %dma_start3A_282 = arith.constant 0 : i32
      %dma_start3A_283 = arith.constant 0 : i32
      %dma_start3A_284 = tpu.memref_slice %arg16[%dma_start3A_282, %dma_start3A_283] : memref<10000x16xf32, #tpu.memory_space<vmem_shared>> -> memref<10000x16xf32, #tpu.memory_space<vmem_shared>>
      tpu.enqueue_indirect_dma source(%arg13 : memref<40x16xf32, #tpu.memory_space<vmem>>) target(%dma_start3A_284 : memref<10000x16xf32, #tpu.memory_space<vmem_shared>>) offsets(%dma_start3A_281 : memref<40xi32, #tpu.memory_space<vmem>>) semaphore(%arg22 : memref<!tpu.dma_semaphore, #tpu.memory_space<semaphore_mem>>) {add = true}
      %mul3A_285 = arith.constant 5 : i32
      %mul3A_286 = arith.muli %scan3A_228, %mul3A_285 : i32
      %add3A_287 = arith.constant 2 : i32
      %add3A_288 = arith.addi %mul3A_286, %add3A_287 : i32
      %mul3A_289 = arith.constant 40 : i32
      %mul3A_290 = arith.muli %add3A_288, %mul3A_289 : i32
      %dma_wait3A_291 = tpu.memref_slice %arg6[%mul3A_290] : memref<5000xi32, #tpu.memory_space<vmem>> -> memref<40xi32, #tpu.memory_space<vmem>>
      %dma_wait3A_292 = arith.constant 0 : i32
      %dma_wait3A_293 = arith.constant 0 : i32
      %dma_wait3A_294 = tpu.memref_slice %arg2[%dma_wait3A_292, %dma_wait3A_293] : memref<10000x128xf32, #tpu.memory_space<hbm>> -> memref<10000x128xf32, #tpu.memory_space<hbm>>
      tpu.wait_indirect_dma semaphore(%arg19 : memref<!tpu.dma_semaphore, #tpu.memory_space<semaphore_mem>>) src(%dma_wait3A_294 : memref<10000x128xf32, #tpu.memory_space<hbm>>) dst(%arg10 : memref<40x128xf32, #tpu.memory_space<vmem>>)
      %mul3A_295 = arith.constant 40 : i32
      %mul3A_296 = arith.muli %add3A_288, %mul3A_295 : i32
      "tpu.region"() ({
        %run_scoped3A_369 = tpu.sem_alloc : memref<!tpu.dma_semaphore, #tpu.memory_space<semaphore_mem>>
        %dma_start3A_370 = tpu.memref_slice %arg7[%mul3A_296] : memref<5000xi32, #tpu.memory_space<vmem>> -> memref<40xi32, #tpu.memory_space<vmem>>
        %dma_start3A_371 = arith.constant 0 : i32
        %dma_start3A_372 = arith.constant 0 : i32
        %dma_start3A_373 = tpu.memref_slice %arg15[%dma_start3A_371, %dma_start3A_372] : memref<10000x128xf32, #tpu.memory_space<vmem_shared>> -> memref<10000x128xf32, #tpu.memory_space<vmem_shared>>
        tpu.enqueue_indirect_dma source(%arg10 : memref<40x128xf32, #tpu.memory_space<vmem>>) target(%dma_start3A_373 : memref<10000x128xf32, #tpu.memory_space<vmem_shared>>) offsets(%dma_start3A_370 : memref<40xi32, #tpu.memory_space<vmem>>) semaphore(%run_scoped3A_369 : memref<!tpu.dma_semaphore, #tpu.memory_space<semaphore_mem>>) {add = true}
        %dma_wait3A_374 = tpu.memref_slice %arg7[%mul3A_296] : memref<5000xi32, #tpu.memory_space<vmem>> -> memref<40xi32, #tpu.memory_space<vmem>>
        %dma_wait3A_375 = arith.constant 0 : i32
        %dma_wait3A_376 = arith.constant 0 : i32
        %dma_wait3A_377 = tpu.memref_slice %arg15[%dma_wait3A_375, %dma_wait3A_376] : memref<10000x128xf32, #tpu.memory_space<vmem_shared>> -> memref<10000x128xf32, #tpu.memory_space<vmem_shared>>
        tpu.wait_indirect_dma semaphore(%run_scoped3A_369 : memref<!tpu.dma_semaphore, #tpu.memory_space<semaphore_mem>>) src(%arg10 : memref<40x128xf32, #tpu.memory_space<vmem>>) dst(%dma_wait3A_377 : memref<10000x128xf32, #tpu.memory_space<vmem_shared>>)
        tpu.yield
      }) : () -> ()
      %add3A_297 = arith.constant 5 : i32
      %add3A_298 = arith.addi %add3A_288, %add3A_297 : i32
      %mul3A_299 = arith.constant 40 : i32
      %mul3A_300 = arith.muli %add3A_298, %mul3A_299 : i32
      %dma_start3A_301 = tpu.memref_slice %arg6[%mul3A_300] : memref<5000xi32, #tpu.memory_space<vmem>> -> memref<40xi32, #tpu.memory_space<vmem>>
      %dma_start3A_302 = arith.constant 0 : i32
      %dma_start3A_303 = arith.constant 0 : i32
      %dma_start3A_304 = tpu.memref_slice %arg2[%dma_start3A_302, %dma_start3A_303] : memref<10000x128xf32, #tpu.memory_space<hbm>> -> memref<10000x128xf32, #tpu.memory_space<hbm>>
      tpu.enqueue_indirect_dma source(%dma_start3A_304 : memref<10000x128xf32, #tpu.memory_space<hbm>>) target(%arg10 : memref<40x128xf32, #tpu.memory_space<vmem>>) offsets(%dma_start3A_301 : memref<40xi32, #tpu.memory_space<vmem>>) semaphore(%arg19 : memref<!tpu.dma_semaphore, #tpu.memory_space<semaphore_mem>>)
      %add3A_305 = arith.constant 5 : i32
      %add3A_306 = arith.addi %add3A_288, %add3A_305 : i32
      %mul3A_307 = arith.constant 40 : i32
      %mul3A_308 = arith.muli %add3A_306, %mul3A_307 : i32
      %dma_start3A_309 = tpu.memref_slice %arg7[%mul3A_308] : memref<5000xi32, #tpu.memory_space<vmem>> -> memref<40xi32, #tpu.memory_space<vmem>>
      %dma_start3A_310 = arith.constant 0 : i32
      %dma_start3A_311 = arith.constant 0 : i32
      %dma_start3A_312 = tpu.memref_slice %arg16[%dma_start3A_310, %dma_start3A_311] : memref<10000x16xf32, #tpu.memory_space<vmem_shared>> -> memref<10000x16xf32, #tpu.memory_space<vmem_shared>>
      tpu.enqueue_indirect_dma source(%arg13 : memref<40x16xf32, #tpu.memory_space<vmem>>) target(%dma_start3A_312 : memref<10000x16xf32, #tpu.memory_space<vmem_shared>>) offsets(%dma_start3A_309 : memref<40xi32, #tpu.memory_space<vmem>>) semaphore(%arg22 : memref<!tpu.dma_semaphore, #tpu.memory_space<semaphore_mem>>) {add = true}
      %mul3A_313 = arith.constant 5 : i32
      %mul3A_314 = arith.muli %scan3A_228, %mul3A_313 : i32
      %add3A_315 = arith.constant 3 : i32
      %add3A_316 = arith.addi %mul3A_314, %add3A_315 : i32
      %mul3A_317 = arith.constant 40 : i32
      %mul3A_318 = arith.muli %add3A_316, %mul3A_317 : i32
      %dma_wait3A_319 = tpu.memref_slice %arg6[%mul3A_318] : memref<5000xi32, #tpu.memory_space<vmem>> -> memref<40xi32, #tpu.memory_space<vmem>>
      %dma_wait3A_320 = arith.constant 0 : i32
      %dma_wait3A_321 = arith.constant 0 : i32
      %dma_wait3A_322 = tpu.memref_slice %arg2[%dma_wait3A_320, %dma_wait3A_321] : memref<10000x128xf32, #tpu.memory_space<hbm>> -> memref<10000x128xf32, #tpu.memory_space<hbm>>
      tpu.wait_indirect_dma semaphore(%arg20 : memref<!tpu.dma_semaphore, #tpu.memory_space<semaphore_mem>>) src(%dma_wait3A_322 : memref<10000x128xf32, #tpu.memory_space<hbm>>) dst(%arg11 : memref<40x128xf32, #tpu.memory_space<vmem>>)
      %mul3A_323 = arith.constant 40 : i32
      %mul3A_324 = arith.muli %add3A_316, %mul3A_323 : i32
      "tpu.region"() ({
        %run_scoped3A_369 = tpu.sem_alloc : memref<!tpu.dma_semaphore, #tpu.memory_space<semaphore_mem>>
        %dma_start3A_370 = tpu.memref_slice %arg7[%mul3A_324] : memref<5000xi32, #tpu.memory_space<vmem>> -> memref<40xi32, #tpu.memory_space<vmem>>
        %dma_start3A_371 = arith.constant 0 : i32
        %dma_start3A_372 = arith.constant 0 : i32
        %dma_start3A_373 = tpu.memref_slice %arg15[%dma_start3A_371, %dma_start3A_372] : memref<10000x128xf32, #tpu.memory_space<vmem_shared>> -> memref<10000x128xf32, #tpu.memory_space<vmem_shared>>
        tpu.enqueue_indirect_dma source(%arg11 : memref<40x128xf32, #tpu.memory_space<vmem>>) target(%dma_start3A_373 : memref<10000x128xf32, #tpu.memory_space<vmem_shared>>) offsets(%dma_start3A_370 : memref<40xi32, #tpu.memory_space<vmem>>) semaphore(%run_scoped3A_369 : memref<!tpu.dma_semaphore, #tpu.memory_space<semaphore_mem>>) {add = true}
        %dma_wait3A_374 = tpu.memref_slice %arg7[%mul3A_324] : memref<5000xi32, #tpu.memory_space<vmem>> -> memref<40xi32, #tpu.memory_space<vmem>>
        %dma_wait3A_375 = arith.constant 0 : i32
        %dma_wait3A_376 = arith.constant 0 : i32
        %dma_wait3A_377 = tpu.memref_slice %arg15[%dma_wait3A_375, %dma_wait3A_376] : memref<10000x128xf32, #tpu.memory_space<vmem_shared>> -> memref<10000x128xf32, #tpu.memory_space<vmem_shared>>
        tpu.wait_indirect_dma semaphore(%run_scoped3A_369 : memref<!tpu.dma_semaphore, #tpu.memory_space<semaphore_mem>>) src(%arg11 : memref<40x128xf32, #tpu.memory_space<vmem>>) dst(%dma_wait3A_377 : memref<10000x128xf32, #tpu.memory_space<vmem_shared>>)
        tpu.yield
      }) : () -> ()
      %add3A_325 = arith.constant 5 : i32
      %add3A_326 = arith.addi %add3A_316, %add3A_325 : i32
      %mul3A_327 = arith.constant 40 : i32
      %mul3A_328 = arith.muli %add3A_326, %mul3A_327 : i32
      %dma_start3A_329 = tpu.memref_slice %arg6[%mul3A_328] : memref<5000xi32, #tpu.memory_space<vmem>> -> memref<40xi32, #tpu.memory_space<vmem>>
      %dma_start3A_330 = arith.constant 0 : i32
      %dma_start3A_331 = arith.constant 0 : i32
      %dma_start3A_332 = tpu.memref_slice %arg2[%dma_start3A_330, %dma_start3A_331] : memref<10000x128xf32, #tpu.memory_space<hbm>> -> memref<10000x128xf32, #tpu.memory_space<hbm>>
      tpu.enqueue_indirect_dma source(%dma_start3A_332 : memref<10000x128xf32, #tpu.memory_space<hbm>>) target(%arg11 : memref<40x128xf32, #tpu.memory_space<vmem>>) offsets(%dma_start3A_329 : memref<40xi32, #tpu.memory_space<vmem>>) semaphore(%arg20 : memref<!tpu.dma_semaphore, #tpu.memory_space<semaphore_mem>>)
      %add3A_333 = arith.constant 5 : i32
      %add3A_334 = arith.addi %add3A_316, %add3A_333 : i32
      %mul3A_335 = arith.constant 40 : i32
      %mul3A_336 = arith.muli %add3A_334, %mul3A_335 : i32
      %dma_start3A_337 = tpu.memref_slice %arg7[%mul3A_336] : memref<5000xi32, #tpu.memory_space<vmem>> -> memref<40xi32, #tpu.memory_space<vmem>>
      %dma_start3A_338 = arith.constant 0 : i32
      %dma_start3A_339 = arith.constant 0 : i32
      %dma_start3A_340 = tpu.memref_slice %arg16[%dma_start3A_338, %dma_start3A_339] : memref<10000x16xf32, #tpu.memory_space<vmem_shared>> -> memref<10000x16xf32, #tpu.memory_space<vmem_shared>>
      tpu.enqueue_indirect_dma source(%arg13 : memref<40x16xf32, #tpu.memory_space<vmem>>) target(%dma_start3A_340 : memref<10000x16xf32, #tpu.memory_space<vmem_shared>>) offsets(%dma_start3A_337 : memref<40xi32, #tpu.memory_space<vmem>>) semaphore(%arg22 : memref<!tpu.dma_semaphore, #tpu.memory_space<semaphore_mem>>) {add = true}
      %mul3A_341 = arith.constant 5 : i32
      %mul3A_342 = arith.muli %scan3A_228, %mul3A_341 : i32
      %add3A_343 = arith.constant 4 : i32
      %add3A_344 = arith.addi %mul3A_342, %add3A_343 : i32
      %mul3A_345 = arith.constant 40 : i32
      %mul3A_346 = arith.muli %add3A_344, %mul3A_345 : i32
      %dma_wait3A_347 = tpu.memref_slice %arg6[%mul3A_346] : memref<5000xi32, #tpu.memory_space<vmem>> -> memref<40xi32, #tpu.memory_space<vmem>>
      %dma_wait3A_348 = arith.constant 0 : i32
      %dma_wait3A_349 = arith.constant 0 : i32
      %dma_wait3A_350 = tpu.memref_slice %arg2[%dma_wait3A_348, %dma_wait3A_349] : memref<10000x128xf32, #tpu.memory_space<hbm>> -> memref<10000x128xf32, #tpu.memory_space<hbm>>
      tpu.wait_indirect_dma semaphore(%arg21 : memref<!tpu.dma_semaphore, #tpu.memory_space<semaphore_mem>>) src(%dma_wait3A_350 : memref<10000x128xf32, #tpu.memory_space<hbm>>) dst(%arg12 : memref<40x128xf32, #tpu.memory_space<vmem>>)
      %mul3A_351 = arith.constant 40 : i32
      %mul3A_352 = arith.muli %add3A_344, %mul3A_351 : i32
      "tpu.region"() ({
        %run_scoped3A_369 = tpu.sem_alloc : memref<!tpu.dma_semaphore, #tpu.memory_space<semaphore_mem>>
        %dma_start3A_370 = tpu.memref_slice %arg7[%mul3A_352] : memref<5000xi32, #tpu.memory_space<vmem>> -> memref<40xi32, #tpu.memory_space<vmem>>
        %dma_start3A_371 = arith.constant 0 : i32
        %dma_start3A_372 = arith.constant 0 : i32
        %dma_start3A_373 = tpu.memref_slice %arg15[%dma_start3A_371, %dma_start3A_372] : memref<10000x128xf32, #tpu.memory_space<vmem_shared>> -> memref<10000x128xf32, #tpu.memory_space<vmem_shared>>
        tpu.enqueue_indirect_dma source(%arg12 : memref<40x128xf32, #tpu.memory_space<vmem>>) target(%dma_start3A_373 : memref<10000x128xf32, #tpu.memory_space<vmem_shared>>) offsets(%dma_start3A_370 : memref<40xi32, #tpu.memory_space<vmem>>) semaphore(%run_scoped3A_369 : memref<!tpu.dma_semaphore, #tpu.memory_space<semaphore_mem>>) {add = true}
        %dma_wait3A_374 = tpu.memref_slice %arg7[%mul3A_352] : memref<5000xi32, #tpu.memory_space<vmem>> -> memref<40xi32, #tpu.memory_space<vmem>>
        %dma_wait3A_375 = arith.constant 0 : i32
        %dma_wait3A_376 = arith.constant 0 : i32
        %dma_wait3A_377 = tpu.memref_slice %arg15[%dma_wait3A_375, %dma_wait3A_376] : memref<10000x128xf32, #tpu.memory_space<vmem_shared>> -> memref<10000x128xf32, #tpu.memory_space<vmem_shared>>
        tpu.wait_indirect_dma semaphore(%run_scoped3A_369 : memref<!tpu.dma_semaphore, #tpu.memory_space<semaphore_mem>>) src(%arg12 : memref<40x128xf32, #tpu.memory_space<vmem>>) dst(%dma_wait3A_377 : memref<10000x128xf32, #tpu.memory_space<vmem_shared>>)
        tpu.yield
      }) : () -> ()
      %add3A_353 = arith.constant 5 : i32
      %add3A_354 = arith.addi %add3A_344, %add3A_353 : i32
      %mul3A_355 = arith.constant 40 : i32
      %mul3A_356 = arith.muli %add3A_354, %mul3A_355 : i32
      %dma_start3A_357 = tpu.memref_slice %arg6[%mul3A_356] : memref<5000xi32, #tpu.memory_space<vmem>> -> memref<40xi32, #tpu.memory_space<vmem>>
      %dma_start3A_358 = arith.constant 0 : i32
      %dma_start3A_359 = arith.constant 0 : i32
      %dma_start3A_360 = tpu.memref_slice %arg2[%dma_start3A_358, %dma_start3A_359] : memref<10000x128xf32, #tpu.memory_space<hbm>> -> memref<10000x128xf32, #tpu.memory_space<hbm>>
      tpu.enqueue_indirect_dma source(%dma_start3A_360 : memref<10000x128xf32, #tpu.memory_space<hbm>>) target(%arg12 : memref<40x128xf32, #tpu.memory_space<vmem>>) offsets(%dma_start3A_357 : memref<40xi32, #tpu.memory_space<vmem>>) semaphore(%arg21 : memref<!tpu.dma_semaphore, #tpu.memory_space<semaphore_mem>>)
      %add3A_361 = arith.constant 5 : i32
      %add3A_362 = arith.addi %add3A_344, %add3A_361 : i32
      %mul3A_363 = arith.constant 40 : i32
      %mul3A_364 = arith.muli %add3A_362, %mul3A_363 : i32
      %dma_start3A_365 = tpu.memref_slice %arg7[%mul3A_364] : memref<5000xi32, #tpu.memory_space<vmem>> -> memref<40xi32, #tpu.memory_space<vmem>>
      %dma_start3A_366 = arith.constant 0 : i32
      %dma_start3A_367 = arith.constant 0 : i32
      %dma_start3A_368 = tpu.memref_slice %arg16[%dma_start3A_366, %dma_start3A_367] : memref<10000x16xf32, #tpu.memory_space<vmem_shared>> -> memref<10000x16xf32, #tpu.memory_space<vmem_shared>>
      tpu.enqueue_indirect_dma source(%arg13 : memref<40x16xf32, #tpu.memory_space<vmem>>) target(%dma_start3A_368 : memref<10000x16xf32, #tpu.memory_space<vmem_shared>>) offsets(%dma_start3A_365 : memref<40xi32, #tpu.memory_space<vmem>>) semaphore(%arg22 : memref<!tpu.dma_semaphore, #tpu.memory_space<semaphore_mem>>) {add = true}
    }
    %scan3A_87 = arith.constant 24 : i32
    %dma_wait3A = arith.constant 4800 : i32
    %dma_wait3A_88 = tpu.memref_slice %arg6[%dma_wait3A] : memref<5000xi32, #tpu.memory_space<vmem>> -> memref<40xi32, #tpu.memory_space<vmem>>
    %dma_wait3A_89 = arith.constant 0 : i32
    %dma_wait3A_90 = arith.constant 0 : i32
    %dma_wait3A_91 = tpu.memref_slice %arg2[%dma_wait3A_89, %dma_wait3A_90] : memref<10000x128xf32, #tpu.memory_space<hbm>> -> memref<10000x128xf32, #tpu.memory_space<hbm>>
    tpu.wait_indirect_dma semaphore(%arg17 : memref<!tpu.dma_semaphore, #tpu.memory_space<semaphore_mem>>) src(%dma_wait3A_91 : memref<10000x128xf32, #tpu.memory_space<hbm>>) dst(%arg8 : memref<40x128xf32, #tpu.memory_space<vmem>>)
    "tpu.region"() ({
      %run_scoped3A_228 = tpu.sem_alloc : memref<!tpu.dma_semaphore, #tpu.memory_space<semaphore_mem>>
      %dma_start3A_229 = arith.constant 4800 : i32
      %dma_start3A_230 = tpu.memref_slice %arg7[%dma_start3A_229] : memref<5000xi32, #tpu.memory_space<vmem>> -> memref<40xi32, #tpu.memory_space<vmem>>
      %dma_start3A_231 = arith.constant 0 : i32
      %dma_start3A_232 = arith.constant 0 : i32
      %dma_start3A_233 = tpu.memref_slice %arg15[%dma_start3A_231, %dma_start3A_232] : memref<10000x128xf32, #tpu.memory_space<vmem_shared>> -> memref<10000x128xf32, #tpu.memory_space<vmem_shared>>
      tpu.enqueue_indirect_dma source(%arg8 : memref<40x128xf32, #tpu.memory_space<vmem>>) target(%dma_start3A_233 : memref<10000x128xf32, #tpu.memory_space<vmem_shared>>) offsets(%dma_start3A_230 : memref<40xi32, #tpu.memory_space<vmem>>) semaphore(%run_scoped3A_228 : memref<!tpu.dma_semaphore, #tpu.memory_space<semaphore_mem>>) {add = true}
      %dma_wait3A_234 = arith.constant 4800 : i32
      %dma_wait3A_235 = tpu.memref_slice %arg7[%dma_wait3A_234] : memref<5000xi32, #tpu.memory_space<vmem>> -> memref<40xi32, #tpu.memory_space<vmem>>
      %dma_wait3A_236 = arith.constant 0 : i32
      %dma_wait3A_237 = arith.constant 0 : i32
      %dma_wait3A_238 = tpu.memref_slice %arg15[%dma_wait3A_236, %dma_wait3A_237] : memref<10000x128xf32, #tpu.memory_space<vmem_shared>> -> memref<10000x128xf32, #tpu.memory_space<vmem_shared>>
      tpu.wait_indirect_dma semaphore(%run_scoped3A_228 : memref<!tpu.dma_semaphore, #tpu.memory_space<semaphore_mem>>) src(%arg8 : memref<40x128xf32, #tpu.memory_space<vmem>>) dst(%dma_wait3A_238 : memref<10000x128xf32, #tpu.memory_space<vmem_shared>>)
      tpu.yield
    }) : () -> ()
    %dma_wait3A_92 = arith.constant 4840 : i32
    %dma_wait3A_93 = tpu.memref_slice %arg6[%dma_wait3A_92] : memref<5000xi32, #tpu.memory_space<vmem>> -> memref<40xi32, #tpu.memory_space<vmem>>
    %dma_wait3A_94 = arith.constant 0 : i32
    %dma_wait3A_95 = arith.constant 0 : i32
    %dma_wait3A_96 = tpu.memref_slice %arg2[%dma_wait3A_94, %dma_wait3A_95] : memref<10000x128xf32, #tpu.memory_space<hbm>> -> memref<10000x128xf32, #tpu.memory_space<hbm>>
    tpu.wait_indirect_dma semaphore(%arg18 : memref<!tpu.dma_semaphore, #tpu.memory_space<semaphore_mem>>) src(%dma_wait3A_96 : memref<10000x128xf32, #tpu.memory_space<hbm>>) dst(%arg9 : memref<40x128xf32, #tpu.memory_space<vmem>>)
    "tpu.region"() ({
      %run_scoped3A_228 = tpu.sem_alloc : memref<!tpu.dma_semaphore, #tpu.memory_space<semaphore_mem>>
      %dma_start3A_229 = arith.constant 4840 : i32
      %dma_start3A_230 = tpu.memref_slice %arg7[%dma_start3A_229] : memref<5000xi32, #tpu.memory_space<vmem>> -> memref<40xi32, #tpu.memory_space<vmem>>
      %dma_start3A_231 = arith.constant 0 : i32
      %dma_start3A_232 = arith.constant 0 : i32
      %dma_start3A_233 = tpu.memref_slice %arg15[%dma_start3A_231, %dma_start3A_232] : memref<10000x128xf32, #tpu.memory_space<vmem_shared>> -> memref<10000x128xf32, #tpu.memory_space<vmem_shared>>
      tpu.enqueue_indirect_dma source(%arg9 : memref<40x128xf32, #tpu.memory_space<vmem>>) target(%dma_start3A_233 : memref<10000x128xf32, #tpu.memory_space<vmem_shared>>) offsets(%dma_start3A_230 : memref<40xi32, #tpu.memory_space<vmem>>) semaphore(%run_scoped3A_228 : memref<!tpu.dma_semaphore, #tpu.memory_space<semaphore_mem>>) {add = true}
      %dma_wait3A_234 = arith.constant 4840 : i32
      %dma_wait3A_235 = tpu.memref_slice %arg7[%dma_wait3A_234] : memref<5000xi32, #tpu.memory_space<vmem>> -> memref<40xi32, #tpu.memory_space<vmem>>
      %dma_wait3A_236 = arith.constant 0 : i32
      %dma_wait3A_237 = arith.constant 0 : i32
      %dma_wait3A_238 = tpu.memref_slice %arg15[%dma_wait3A_236, %dma_wait3A_237] : memref<10000x128xf32, #tpu.memory_space<vmem_shared>> -> memref<10000x128xf32, #tpu.memory_space<vmem_shared>>
      tpu.wait_indirect_dma semaphore(%run_scoped3A_228 : memref<!tpu.dma_semaphore, #tpu.memory_space<semaphore_mem>>) src(%arg9 : memref<40x128xf32, #tpu.memory_space<vmem>>) dst(%dma_wait3A_238 : memref<10000x128xf32, #tpu.memory_space<vmem_shared>>)
      tpu.yield
    }) : () -> ()
    %dma_wait3A_97 = arith.constant 4880 : i32
    %dma_wait3A_98 = tpu.memref_slice %arg6[%dma_wait3A_97] : memref<5000xi32, #tpu.memory_space<vmem>> -> memref<40xi32, #tpu.memory_space<vmem>>
    %dma_wait3A_99 = arith.constant 0 : i32
    %dma_wait3A_100 = arith.constant 0 : i32
    %dma_wait3A_101 = tpu.memref_slice %arg2[%dma_wait3A_99, %dma_wait3A_100] : memref<10000x128xf32, #tpu.memory_space<hbm>> -> memref<10000x128xf32, #tpu.memory_space<hbm>>
    tpu.wait_indirect_dma semaphore(%arg19 : memref<!tpu.dma_semaphore, #tpu.memory_space<semaphore_mem>>) src(%dma_wait3A_101 : memref<10000x128xf32, #tpu.memory_space<hbm>>) dst(%arg10 : memref<40x128xf32, #tpu.memory_space<vmem>>)
    "tpu.region"() ({
      %run_scoped3A_228 = tpu.sem_alloc : memref<!tpu.dma_semaphore, #tpu.memory_space<semaphore_mem>>
      %dma_start3A_229 = arith.constant 4880 : i32
      %dma_start3A_230 = tpu.memref_slice %arg7[%dma_start3A_229] : memref<5000xi32, #tpu.memory_space<vmem>> -> memref<40xi32, #tpu.memory_space<vmem>>
      %dma_start3A_231 = arith.constant 0 : i32
      %dma_start3A_232 = arith.constant 0 : i32
      %dma_start3A_233 = tpu.memref_slice %arg15[%dma_start3A_231, %dma_start3A_232] : memref<10000x128xf32, #tpu.memory_space<vmem_shared>> -> memref<10000x128xf32, #tpu.memory_space<vmem_shared>>
      tpu.enqueue_indirect_dma source(%arg10 : memref<40x128xf32, #tpu.memory_space<vmem>>) target(%dma_start3A_233 : memref<10000x128xf32, #tpu.memory_space<vmem_shared>>) offsets(%dma_start3A_230 : memref<40xi32, #tpu.memory_space<vmem>>) semaphore(%run_scoped3A_228 : memref<!tpu.dma_semaphore, #tpu.memory_space<semaphore_mem>>) {add = true}
      %dma_wait3A_234 = arith.constant 4880 : i32
      %dma_wait3A_235 = tpu.memref_slice %arg7[%dma_wait3A_234] : memref<5000xi32, #tpu.memory_space<vmem>> -> memref<40xi32, #tpu.memory_space<vmem>>
      %dma_wait3A_236 = arith.constant 0 : i32
      %dma_wait3A_237 = arith.constant 0 : i32
      %dma_wait3A_238 = tpu.memref_slice %arg15[%dma_wait3A_236, %dma_wait3A_237] : memref<10000x128xf32, #tpu.memory_space<vmem_shared>> -> memref<10000x128xf32, #tpu.memory_space<vmem_shared>>
      tpu.wait_indirect_dma semaphore(%run_scoped3A_228 : memref<!tpu.dma_semaphore, #tpu.memory_space<semaphore_mem>>) src(%arg10 : memref<40x128xf32, #tpu.memory_space<vmem>>) dst(%dma_wait3A_238 : memref<10000x128xf32, #tpu.memory_space<vmem_shared>>)
      tpu.yield
    }) : () -> ()
    %dma_wait3A_102 = arith.constant 4920 : i32
    %dma_wait3A_103 = tpu.memref_slice %arg6[%dma_wait3A_102] : memref<5000xi32, #tpu.memory_space<vmem>> -> memref<40xi32, #tpu.memory_space<vmem>>
    %dma_wait3A_104 = arith.constant 0 : i32
    %dma_wait3A_105 = arith.constant 0 : i32
    %dma_wait3A_106 = tpu.memref_slice %arg2[%dma_wait3A_104, %dma_wait3A_105] : memref<10000x128xf32, #tpu.memory_space<hbm>> -> memref<10000x128xf32, #tpu.memory_space<hbm>>
    tpu.wait_indirect_dma semaphore(%arg20 : memref<!tpu.dma_semaphore, #tpu.memory_space<semaphore_mem>>) src(%dma_wait3A_106 : memref<10000x128xf32, #tpu.memory_space<hbm>>) dst(%arg11 : memref<40x128xf32, #tpu.memory_space<vmem>>)
    "tpu.region"() ({
      %run_scoped3A_228 = tpu.sem_alloc : memref<!tpu.dma_semaphore, #tpu.memory_space<semaphore_mem>>
      %dma_start3A_229 = arith.constant 4920 : i32
      %dma_start3A_230 = tpu.memref_slice %arg7[%dma_start3A_229] : memref<5000xi32, #tpu.memory_space<vmem>> -> memref<40xi32, #tpu.memory_space<vmem>>
      %dma_start3A_231 = arith.constant 0 : i32
      %dma_start3A_232 = arith.constant 0 : i32
      %dma_start3A_233 = tpu.memref_slice %arg15[%dma_start3A_231, %dma_start3A_232] : memref<10000x128xf32, #tpu.memory_space<vmem_shared>> -> memref<10000x128xf32, #tpu.memory_space<vmem_shared>>
      tpu.enqueue_indirect_dma source(%arg11 : memref<40x128xf32, #tpu.memory_space<vmem>>) target(%dma_start3A_233 : memref<10000x128xf32, #tpu.memory_space<vmem_shared>>) offsets(%dma_start3A_230 : memref<40xi32, #tpu.memory_space<vmem>>) semaphore(%run_scoped3A_228 : memref<!tpu.dma_semaphore, #tpu.memory_space<semaphore_mem>>) {add = true}
      %dma_wait3A_234 = arith.constant 4920 : i32
      %dma_wait3A_235 = tpu.memref_slice %arg7[%dma_wait3A_234] : memref<5000xi32, #tpu.memory_space<vmem>> -> memref<40xi32, #tpu.memory_space<vmem>>
      %dma_wait3A_236 = arith.constant 0 : i32
      %dma_wait3A_237 = arith.constant 0 : i32
      %dma_wait3A_238 = tpu.memref_slice %arg15[%dma_wait3A_236, %dma_wait3A_237] : memref<10000x128xf32, #tpu.memory_space<vmem_shared>> -> memref<10000x128xf32, #tpu.memory_space<vmem_shared>>
      tpu.wait_indirect_dma semaphore(%run_scoped3A_228 : memref<!tpu.dma_semaphore, #tpu.memory_space<semaphore_mem>>) src(%arg11 : memref<40x128xf32, #tpu.memory_space<vmem>>) dst(%dma_wait3A_238 : memref<10000x128xf32, #tpu.memory_space<vmem_shared>>)
      tpu.yield
    }) : () -> ()
    %dma_wait3A_107 = arith.constant 4960 : i32
    %dma_wait3A_108 = tpu.memref_slice %arg6[%dma_wait3A_107] : memref<5000xi32, #tpu.memory_space<vmem>> -> memref<40xi32, #tpu.memory_space<vmem>>
    %dma_wait3A_109 = arith.constant 0 : i32
    %dma_wait3A_110 = arith.constant 0 : i32
    %dma_wait3A_111 = tpu.memref_slice %arg2[%dma_wait3A_109, %dma_wait3A_110] : memref<10000x128xf32, #tpu.memory_space<hbm>> -> memref<10000x128xf32, #tpu.memory_space<hbm>>
    tpu.wait_indirect_dma semaphore(%arg21 : memref<!tpu.dma_semaphore, #tpu.memory_space<semaphore_mem>>) src(%dma_wait3A_111 : memref<10000x128xf32, #tpu.memory_space<hbm>>) dst(%arg12 : memref<40x128xf32, #tpu.memory_space<vmem>>)
    "tpu.region"() ({
      %run_scoped3A_228 = tpu.sem_alloc : memref<!tpu.dma_semaphore, #tpu.memory_space<semaphore_mem>>
      %dma_start3A_229 = arith.constant 4960 : i32
      %dma_start3A_230 = tpu.memref_slice %arg7[%dma_start3A_229] : memref<5000xi32, #tpu.memory_space<vmem>> -> memref<40xi32, #tpu.memory_space<vmem>>
      %dma_start3A_231 = arith.constant 0 : i32
      %dma_start3A_232 = arith.constant 0 : i32
      %dma_start3A_233 = tpu.memref_slice %arg15[%dma_start3A_231, %dma_start3A_232] : memref<10000x128xf32, #tpu.memory_space<vmem_shared>> -> memref<10000x128xf32, #tpu.memory_space<vmem_shared>>
      tpu.enqueue_indirect_dma source(%arg12 : memref<40x128xf32, #tpu.memory_space<vmem>>) target(%dma_start3A_233 : memref<10000x128xf32, #tpu.memory_space<vmem_shared>>) offsets(%dma_start3A_230 : memref<40xi32, #tpu.memory_space<vmem>>) semaphore(%run_scoped3A_228 : memref<!tpu.dma_semaphore, #tpu.memory_space<semaphore_mem>>) {add = true}
      %dma_wait3A_234 = arith.constant 4960 : i32
      %dma_wait3A_235 = tpu.memref_slice %arg7[%dma_wait3A_234] : memref<5000xi32, #tpu.memory_space<vmem>> -> memref<40xi32, #tpu.memory_space<vmem>>
      %dma_wait3A_236 = arith.constant 0 : i32
      %dma_wait3A_237 = arith.constant 0 : i32
      %dma_wait3A_238 = tpu.memref_slice %arg15[%dma_wait3A_236, %dma_wait3A_237] : memref<10000x128xf32, #tpu.memory_space<vmem_shared>> -> memref<10000x128xf32, #tpu.memory_space<vmem_shared>>
      tpu.wait_indirect_dma semaphore(%run_scoped3A_228 : memref<!tpu.dma_semaphore, #tpu.memory_space<semaphore_mem>>) src(%arg12 : memref<40x128xf32, #tpu.memory_space<vmem>>) dst(%dma_wait3A_238 : memref<10000x128xf32, #tpu.memory_space<vmem_shared>>)
      tpu.yield
    }) : () -> ()
    %scan3A_112 = arith.constant 0 : i32
    %scan3A_113 = arith.constant 0 : i32
    %scan3A_114 = arith.constant 125 : i32
    %scan3A_115 = arith.addi %scan3A_113, %scan3A_114 : i32
    %scan3A_116 = arith.constant 1 : i32
    scf.for %scan3A_228 = %scan3A_113 to %scan3A_115 step %scan3A_116  : i32 {
      %mul3A_229 = arith.constant 40 : i32
      %mul3A_230 = arith.muli %scan3A_228, %mul3A_229 : i32
      %dma_wait3A_231 = tpu.memref_slice %arg7[%mul3A_230] : memref<5000xi32, #tpu.memory_space<vmem>> -> memref<40xi32, #tpu.memory_space<vmem>>
      %dma_wait3A_232 = arith.constant 0 : i32
      %dma_wait3A_233 = arith.constant 0 : i32
      %dma_wait3A_234 = tpu.memref_slice %arg16[%dma_wait3A_232, %dma_wait3A_233] : memref<10000x16xf32, #tpu.memory_space<vmem_shared>> -> memref<10000x16xf32, #tpu.memory_space<vmem_shared>>
      tpu.wait_indirect_dma semaphore(%arg22 : memref<!tpu.dma_semaphore, #tpu.memory_space<semaphore_mem>>) src(%arg13 : memref<40x16xf32, #tpu.memory_space<vmem>>) dst(%dma_wait3A_234 : memref<10000x16xf32, #tpu.memory_space<vmem_shared>>)
    }
    %scan3A_117 = arith.constant 125 : i32
    %mul3A_118 = arith.constant 10000 : i32
    %mul3A_119 = arith.muli %add3A, %mul3A_118 : i32
    %add3A_120 = arith.constant 5000 : i32
    %add3A_121 = arith.addi %mul3A_119, %add3A_120 : i32
    %run_scoped3A_122 = arith.constant 0 : i32
    "tpu.region"() ({
      %run_scoped3A_228 = tpu.sem_alloc : memref<!tpu.dma_semaphore, #tpu.memory_space<semaphore_mem>>
      %dma_start3A_229 = tpu.memref_slice %arg3[%run_scoped3A_122, %add3A_121] : memref<2x320000xi32, #tpu.memory_space<hbm>> -> memref<1x5000xi32, #tpu.memory_space<hbm>>
      %dma_start3A_230 = tpu.memref_squeeze %dma_start3A_229 : memref<1x5000xi32, #tpu.memory_space<hbm>> -> memref<5000xi32, #tpu.memory_space<hbm>>
      %dma_start3A_231 = tpu.memref_slice %arg3[%run_scoped3A_122, %add3A_121] : memref<2x320000xi32, #tpu.memory_space<hbm>> -> memref<1x5000xi32, #tpu.memory_space<hbm>>
      %dma_start3A_232 = tpu.memref_squeeze %dma_start3A_231 : memref<1x5000xi32, #tpu.memory_space<hbm>> -> memref<5000xi32, #tpu.memory_space<hbm>>
      tpu.enqueue_dma source(%dma_start3A_232 : memref<5000xi32, #tpu.memory_space<hbm>>) target(%arg6 : memref<5000xi32, #tpu.memory_space<vmem>>) target_semaphore(%run_scoped3A_228 : memref<!tpu.dma_semaphore, #tpu.memory_space<semaphore_mem>>)
      %dma_wait3A_233 = tpu.memref_slice %arg3[%run_scoped3A_122, %add3A_121] : memref<2x320000xi32, #tpu.memory_space<hbm>> -> memref<1x5000xi32, #tpu.memory_space<hbm>>
      %dma_wait3A_234 = tpu.memref_squeeze %dma_wait3A_233 : memref<1x5000xi32, #tpu.memory_space<hbm>> -> memref<5000xi32, #tpu.memory_space<hbm>>
      %dma_wait3A_235 = tpu.memref_slice %arg3[%run_scoped3A_122, %add3A_121] : memref<2x320000xi32, #tpu.memory_space<hbm>> -> memref<1x5000xi32, #tpu.memory_space<hbm>>
      %dma_wait3A_236 = tpu.memref_squeeze %dma_wait3A_235 : memref<1x5000xi32, #tpu.memory_space<hbm>> -> memref<5000xi32, #tpu.memory_space<hbm>>
      tpu.wait_dma2 semaphore(%run_scoped3A_228 : memref<!tpu.dma_semaphore, #tpu.memory_space<semaphore_mem>>) src(%dma_wait3A_236 : memref<5000xi32, #tpu.memory_space<hbm>>) dst(%arg6 : memref<5000xi32, #tpu.memory_space<vmem>>)
      tpu.yield
    }) : () -> ()
    %mul3A_123 = arith.constant 10000 : i32
    %mul3A_124 = arith.muli %add3A, %mul3A_123 : i32
    %add3A_125 = arith.constant 5000 : i32
    %add3A_126 = arith.addi %mul3A_124, %add3A_125 : i32
    %run_scoped3A_127 = arith.constant 1 : i32
    "tpu.region"() ({
      %run_scoped3A_228 = tpu.sem_alloc : memref<!tpu.dma_semaphore, #tpu.memory_space<semaphore_mem>>
      %dma_start3A_229 = tpu.memref_slice %arg3[%run_scoped3A_127, %add3A_126] : memref<2x320000xi32, #tpu.memory_space<hbm>> -> memref<1x5000xi32, #tpu.memory_space<hbm>>
      %dma_start3A_230 = tpu.memref_squeeze %dma_start3A_229 : memref<1x5000xi32, #tpu.memory_space<hbm>> -> memref<5000xi32, #tpu.memory_space<hbm>>
      %dma_start3A_231 = tpu.memref_slice %arg3[%run_scoped3A_127, %add3A_126] : memref<2x320000xi32, #tpu.memory_space<hbm>> -> memref<1x5000xi32, #tpu.memory_space<hbm>>
      %dma_start3A_232 = tpu.memref_squeeze %dma_start3A_231 : memref<1x5000xi32, #tpu.memory_space<hbm>> -> memref<5000xi32, #tpu.memory_space<hbm>>
      tpu.enqueue_dma source(%dma_start3A_232 : memref<5000xi32, #tpu.memory_space<hbm>>) target(%arg7 : memref<5000xi32, #tpu.memory_space<vmem>>) target_semaphore(%run_scoped3A_228 : memref<!tpu.dma_semaphore, #tpu.memory_space<semaphore_mem>>)
      %dma_wait3A_233 = tpu.memref_slice %arg3[%run_scoped3A_127, %add3A_126] : memref<2x320000xi32, #tpu.memory_space<hbm>> -> memref<1x5000xi32, #tpu.memory_space<hbm>>
      %dma_wait3A_234 = tpu.memref_squeeze %dma_wait3A_233 : memref<1x5000xi32, #tpu.memory_space<hbm>> -> memref<5000xi32, #tpu.memory_space<hbm>>
      %dma_wait3A_235 = tpu.memref_slice %arg3[%run_scoped3A_127, %add3A_126] : memref<2x320000xi32, #tpu.memory_space<hbm>> -> memref<1x5000xi32, #tpu.memory_space<hbm>>
      %dma_wait3A_236 = tpu.memref_squeeze %dma_wait3A_235 : memref<1x5000xi32, #tpu.memory_space<hbm>> -> memref<5000xi32, #tpu.memory_space<hbm>>
      tpu.wait_dma2 semaphore(%run_scoped3A_228 : memref<!tpu.dma_semaphore, #tpu.memory_space<semaphore_mem>>) src(%dma_wait3A_236 : memref<5000xi32, #tpu.memory_space<hbm>>) dst(%arg7 : memref<5000xi32, #tpu.memory_space<vmem>>)
      tpu.yield
    }) : () -> ()
    %dma_start3A_128 = arith.constant 0 : i32
    %dma_start3A_129 = tpu.memref_slice %arg6[%dma_start3A_128] : memref<5000xi32, #tpu.memory_space<vmem>> -> memref<40xi32, #tpu.memory_space<vmem>>
    %dma_start3A_130 = arith.constant 0 : i32
    %dma_start3A_131 = arith.constant 0 : i32
    %dma_start3A_132 = tpu.memref_slice %arg2[%dma_start3A_130, %dma_start3A_131] : memref<10000x128xf32, #tpu.memory_space<hbm>> -> memref<10000x128xf32, #tpu.memory_space<hbm>>
    tpu.enqueue_indirect_dma source(%dma_start3A_132 : memref<10000x128xf32, #tpu.memory_space<hbm>>) target(%arg8 : memref<40x128xf32, #tpu.memory_space<vmem>>) offsets(%dma_start3A_129 : memref<40xi32, #tpu.memory_space<vmem>>) semaphore(%arg17 : memref<!tpu.dma_semaphore, #tpu.memory_space<semaphore_mem>>)
    %dma_start3A_133 = arith.constant 0 : i32
    %dma_start3A_134 = tpu.memref_slice %arg7[%dma_start3A_133] : memref<5000xi32, #tpu.memory_space<vmem>> -> memref<40xi32, #tpu.memory_space<vmem>>
    %dma_start3A_135 = arith.constant 0 : i32
    %dma_start3A_136 = arith.constant 0 : i32
    %dma_start3A_137 = tpu.memref_slice %arg16[%dma_start3A_135, %dma_start3A_136] : memref<10000x16xf32, #tpu.memory_space<vmem_shared>> -> memref<10000x16xf32, #tpu.memory_space<vmem_shared>>
    tpu.enqueue_indirect_dma source(%arg13 : memref<40x16xf32, #tpu.memory_space<vmem>>) target(%dma_start3A_137 : memref<10000x16xf32, #tpu.memory_space<vmem_shared>>) offsets(%dma_start3A_134 : memref<40xi32, #tpu.memory_space<vmem>>) semaphore(%arg22 : memref<!tpu.dma_semaphore, #tpu.memory_space<semaphore_mem>>) {add = true}
    %dma_start3A_138 = arith.constant 40 : i32
    %dma_start3A_139 = tpu.memref_slice %arg6[%dma_start3A_138] : memref<5000xi32, #tpu.memory_space<vmem>> -> memref<40xi32, #tpu.memory_space<vmem>>
    %dma_start3A_140 = arith.constant 0 : i32
    %dma_start3A_141 = arith.constant 0 : i32
    %dma_start3A_142 = tpu.memref_slice %arg2[%dma_start3A_140, %dma_start3A_141] : memref<10000x128xf32, #tpu.memory_space<hbm>> -> memref<10000x128xf32, #tpu.memory_space<hbm>>
    tpu.enqueue_indirect_dma source(%dma_start3A_142 : memref<10000x128xf32, #tpu.memory_space<hbm>>) target(%arg9 : memref<40x128xf32, #tpu.memory_space<vmem>>) offsets(%dma_start3A_139 : memref<40xi32, #tpu.memory_space<vmem>>) semaphore(%arg18 : memref<!tpu.dma_semaphore, #tpu.memory_space<semaphore_mem>>)
    %dma_start3A_143 = arith.constant 40 : i32
    %dma_start3A_144 = tpu.memref_slice %arg7[%dma_start3A_143] : memref<5000xi32, #tpu.memory_space<vmem>> -> memref<40xi32, #tpu.memory_space<vmem>>
    %dma_start3A_145 = arith.constant 0 : i32
    %dma_start3A_146 = arith.constant 0 : i32
    %dma_start3A_147 = tpu.memref_slice %arg16[%dma_start3A_145, %dma_start3A_146] : memref<10000x16xf32, #tpu.memory_space<vmem_shared>> -> memref<10000x16xf32, #tpu.memory_space<vmem_shared>>
    tpu.enqueue_indirect_dma source(%arg13 : memref<40x16xf32, #tpu.memory_space<vmem>>) target(%dma_start3A_147 : memref<10000x16xf32, #tpu.memory_space<vmem_shared>>) offsets(%dma_start3A_144 : memref<40xi32, #tpu.memory_space<vmem>>) semaphore(%arg22 : memref<!tpu.dma_semaphore, #tpu.memory_space<semaphore_mem>>) {add = true}
    %dma_start3A_148 = arith.constant 80 : i32
    %dma_start3A_149 = tpu.memref_slice %arg6[%dma_start3A_148] : memref<5000xi32, #tpu.memory_space<vmem>> -> memref<40xi32, #tpu.memory_space<vmem>>
    %dma_start3A_150 = arith.constant 0 : i32
    %dma_start3A_151 = arith.constant 0 : i32
    %dma_start3A_152 = tpu.memref_slice %arg2[%dma_start3A_150, %dma_start3A_151] : memref<10000x128xf32, #tpu.memory_space<hbm>> -> memref<10000x128xf32, #tpu.memory_space<hbm>>
    tpu.enqueue_indirect_dma source(%dma_start3A_152 : memref<10000x128xf32, #tpu.memory_space<hbm>>) target(%arg10 : memref<40x128xf32, #tpu.memory_space<vmem>>) offsets(%dma_start3A_149 : memref<40xi32, #tpu.memory_space<vmem>>) semaphore(%arg19 : memref<!tpu.dma_semaphore, #tpu.memory_space<semaphore_mem>>)
    %dma_start3A_153 = arith.constant 80 : i32
    %dma_start3A_154 = tpu.memref_slice %arg7[%dma_start3A_153] : memref<5000xi32, #tpu.memory_space<vmem>> -> memref<40xi32, #tpu.memory_space<vmem>>
    %dma_start3A_155 = arith.constant 0 : i32
    %dma_start3A_156 = arith.constant 0 : i32
    %dma_start3A_157 = tpu.memref_slice %arg16[%dma_start3A_155, %dma_start3A_156] : memref<10000x16xf32, #tpu.memory_space<vmem_shared>> -> memref<10000x16xf32, #tpu.memory_space<vmem_shared>>
    tpu.enqueue_indirect_dma source(%arg13 : memref<40x16xf32, #tpu.memory_space<vmem>>) target(%dma_start3A_157 : memref<10000x16xf32, #tpu.memory_space<vmem_shared>>) offsets(%dma_start3A_154 : memref<40xi32, #tpu.memory_space<vmem>>) semaphore(%arg22 : memref<!tpu.dma_semaphore, #tpu.memory_space<semaphore_mem>>) {add = true}
    %dma_start3A_158 = arith.constant 120 : i32
    %dma_start3A_159 = tpu.memref_slice %arg6[%dma_start3A_158] : memref<5000xi32, #tpu.memory_space<vmem>> -> memref<40xi32, #tpu.memory_space<vmem>>
    %dma_start3A_160 = arith.constant 0 : i32
    %dma_start3A_161 = arith.constant 0 : i32
    %dma_start3A_162 = tpu.memref_slice %arg2[%dma_start3A_160, %dma_start3A_161] : memref<10000x128xf32, #tpu.memory_space<hbm>> -> memref<10000x128xf32, #tpu.memory_space<hbm>>
    tpu.enqueue_indirect_dma source(%dma_start3A_162 : memref<10000x128xf32, #tpu.memory_space<hbm>>) target(%arg11 : memref<40x128xf32, #tpu.memory_space<vmem>>) offsets(%dma_start3A_159 : memref<40xi32, #tpu.memory_space<vmem>>) semaphore(%arg20 : memref<!tpu.dma_semaphore, #tpu.memory_space<semaphore_mem>>)
    %dma_start3A_163 = arith.constant 120 : i32
    %dma_start3A_164 = tpu.memref_slice %arg7[%dma_start3A_163] : memref<5000xi32, #tpu.memory_space<vmem>> -> memref<40xi32, #tpu.memory_space<vmem>>
    %dma_start3A_165 = arith.constant 0 : i32
    %dma_start3A_166 = arith.constant 0 : i32
    %dma_start3A_167 = tpu.memref_slice %arg16[%dma_start3A_165, %dma_start3A_166] : memref<10000x16xf32, #tpu.memory_space<vmem_shared>> -> memref<10000x16xf32, #tpu.memory_space<vmem_shared>>
    tpu.enqueue_indirect_dma source(%arg13 : memref<40x16xf32, #tpu.memory_space<vmem>>) target(%dma_start3A_167 : memref<10000x16xf32, #tpu.memory_space<vmem_shared>>) offsets(%dma_start3A_164 : memref<40xi32, #tpu.memory_space<vmem>>) semaphore(%arg22 : memref<!tpu.dma_semaphore, #tpu.memory_space<semaphore_mem>>) {add = true}
    %dma_start3A_168 = arith.constant 160 : i32
    %dma_start3A_169 = tpu.memref_slice %arg6[%dma_start3A_168] : memref<5000xi32, #tpu.memory_space<vmem>> -> memref<40xi32, #tpu.memory_space<vmem>>
    %dma_start3A_170 = arith.constant 0 : i32
    %dma_start3A_171 = arith.constant 0 : i32
    %dma_start3A_172 = tpu.memref_slice %arg2[%dma_start3A_170, %dma_start3A_171] : memref<10000x128xf32, #tpu.memory_space<hbm>> -> memref<10000x128xf32, #tpu.memory_space<hbm>>
    tpu.enqueue_indirect_dma source(%dma_start3A_172 : memref<10000x128xf32, #tpu.memory_space<hbm>>) target(%arg12 : memref<40x128xf32, #tpu.memory_space<vmem>>) offsets(%dma_start3A_169 : memref<40xi32, #tpu.memory_space<vmem>>) semaphore(%arg21 : memref<!tpu.dma_semaphore, #tpu.memory_space<semaphore_mem>>)
    %dma_start3A_173 = arith.constant 160 : i32
    %dma_start3A_174 = tpu.memref_slice %arg7[%dma_start3A_173] : memref<5000xi32, #tpu.memory_space<vmem>> -> memref<40xi32, #tpu.memory_space<vmem>>
    %dma_start3A_175 = arith.constant 0 : i32
    %dma_start3A_176 = arith.constant 0 : i32
    %dma_start3A_177 = tpu.memref_slice %arg16[%dma_start3A_175, %dma_start3A_176] : memref<10000x16xf32, #tpu.memory_space<vmem_shared>> -> memref<10000x16xf32, #tpu.memory_space<vmem_shared>>
    tpu.enqueue_indirect_dma source(%arg13 : memref<40x16xf32, #tpu.memory_space<vmem>>) target(%dma_start3A_177 : memref<10000x16xf32, #tpu.memory_space<vmem_shared>>) offsets(%dma_start3A_174 : memref<40xi32, #tpu.memory_space<vmem>>) semaphore(%arg22 : memref<!tpu.dma_semaphore, #tpu.memory_space<semaphore_mem>>) {add = true}
    %scan3A_178 = arith.constant 0 : i32
    %scan3A_179 = arith.constant 0 : i32
    %scan3A_180 = arith.constant 24 : i32
    %scan3A_181 = arith.addi %scan3A_179, %scan3A_180 : i32
    %scan3A_182 = arith.constant 1 : i32
    scf.for %scan3A_228 = %scan3A_179 to %scan3A_181 step %scan3A_182  : i32 {
      %mul3A_229 = arith.constant 5 : i32
      %mul3A_230 = arith.muli %scan3A_228, %mul3A_229 : i32
      %add3A_231 = arith.constant 0 : i32
      %add3A_232 = arith.addi %mul3A_230, %add3A_231 : i32
      %mul3A_233 = arith.constant 40 : i32
      %mul3A_234 = arith.muli %add3A_232, %mul3A_233 : i32
      %dma_wait3A_235 = tpu.memref_slice %arg6[%mul3A_234] : memref<5000xi32, #tpu.memory_space<vmem>> -> memref<40xi32, #tpu.memory_space<vmem>>
      %dma_wait3A_236 = arith.constant 0 : i32
      %dma_wait3A_237 = arith.constant 0 : i32
      %dma_wait3A_238 = tpu.memref_slice %arg2[%dma_wait3A_236, %dma_wait3A_237] : memref<10000x128xf32, #tpu.memory_space<hbm>> -> memref<10000x128xf32, #tpu.memory_space<hbm>>
      tpu.wait_indirect_dma semaphore(%arg17 : memref<!tpu.dma_semaphore, #tpu.memory_space<semaphore_mem>>) src(%dma_wait3A_238 : memref<10000x128xf32, #tpu.memory_space<hbm>>) dst(%arg8 : memref<40x128xf32, #tpu.memory_space<vmem>>)
      %mul3A_239 = arith.constant 40 : i32
      %mul3A_240 = arith.muli %add3A_232, %mul3A_239 : i32
      "tpu.region"() ({
        %run_scoped3A_369 = tpu.sem_alloc : memref<!tpu.dma_semaphore, #tpu.memory_space<semaphore_mem>>
        %dma_start3A_370 = tpu.memref_slice %arg7[%mul3A_240] : memref<5000xi32, #tpu.memory_space<vmem>> -> memref<40xi32, #tpu.memory_space<vmem>>
        %dma_start3A_371 = arith.constant 0 : i32
        %dma_start3A_372 = arith.constant 0 : i32
        %dma_start3A_373 = tpu.memref_slice %arg15[%dma_start3A_371, %dma_start3A_372] : memref<10000x128xf32, #tpu.memory_space<vmem_shared>> -> memref<10000x128xf32, #tpu.memory_space<vmem_shared>>
        tpu.enqueue_indirect_dma source(%arg8 : memref<40x128xf32, #tpu.memory_space<vmem>>) target(%dma_start3A_373 : memref<10000x128xf32, #tpu.memory_space<vmem_shared>>) offsets(%dma_start3A_370 : memref<40xi32, #tpu.memory_space<vmem>>) semaphore(%run_scoped3A_369 : memref<!tpu.dma_semaphore, #tpu.memory_space<semaphore_mem>>) {add = true}
        %dma_wait3A_374 = tpu.memref_slice %arg7[%mul3A_240] : memref<5000xi32, #tpu.memory_space<vmem>> -> memref<40xi32, #tpu.memory_space<vmem>>
        %dma_wait3A_375 = arith.constant 0 : i32
        %dma_wait3A_376 = arith.constant 0 : i32
        %dma_wait3A_377 = tpu.memref_slice %arg15[%dma_wait3A_375, %dma_wait3A_376] : memref<10000x128xf32, #tpu.memory_space<vmem_shared>> -> memref<10000x128xf32, #tpu.memory_space<vmem_shared>>
        tpu.wait_indirect_dma semaphore(%run_scoped3A_369 : memref<!tpu.dma_semaphore, #tpu.memory_space<semaphore_mem>>) src(%arg8 : memref<40x128xf32, #tpu.memory_space<vmem>>) dst(%dma_wait3A_377 : memref<10000x128xf32, #tpu.memory_space<vmem_shared>>)
        tpu.yield
      }) : () -> ()
      %add3A_241 = arith.constant 5 : i32
      %add3A_242 = arith.addi %add3A_232, %add3A_241 : i32
      %mul3A_243 = arith.constant 40 : i32
      %mul3A_244 = arith.muli %add3A_242, %mul3A_243 : i32
      %dma_start3A_245 = tpu.memref_slice %arg6[%mul3A_244] : memref<5000xi32, #tpu.memory_space<vmem>> -> memref<40xi32, #tpu.memory_space<vmem>>
      %dma_start3A_246 = arith.constant 0 : i32
      %dma_start3A_247 = arith.constant 0 : i32
      %dma_start3A_248 = tpu.memref_slice %arg2[%dma_start3A_246, %dma_start3A_247] : memref<10000x128xf32, #tpu.memory_space<hbm>> -> memref<10000x128xf32, #tpu.memory_space<hbm>>
      tpu.enqueue_indirect_dma source(%dma_start3A_248 : memref<10000x128xf32, #tpu.memory_space<hbm>>) target(%arg8 : memref<40x128xf32, #tpu.memory_space<vmem>>) offsets(%dma_start3A_245 : memref<40xi32, #tpu.memory_space<vmem>>) semaphore(%arg17 : memref<!tpu.dma_semaphore, #tpu.memory_space<semaphore_mem>>)
      %add3A_249 = arith.constant 5 : i32
      %add3A_250 = arith.addi %add3A_232, %add3A_249 : i32
      %mul3A_251 = arith.constant 40 : i32
      %mul3A_252 = arith.muli %add3A_250, %mul3A_251 : i32
      %dma_start3A_253 = tpu.memref_slice %arg7[%mul3A_252] : memref<5000xi32, #tpu.memory_space<vmem>> -> memref<40xi32, #tpu.memory_space<vmem>>
      %dma_start3A_254 = arith.constant 0 : i32
      %dma_start3A_255 = arith.constant 0 : i32
      %dma_start3A_256 = tpu.memref_slice %arg16[%dma_start3A_254, %dma_start3A_255] : memref<10000x16xf32, #tpu.memory_space<vmem_shared>> -> memref<10000x16xf32, #tpu.memory_space<vmem_shared>>
      tpu.enqueue_indirect_dma source(%arg13 : memref<40x16xf32, #tpu.memory_space<vmem>>) target(%dma_start3A_256 : memref<10000x16xf32, #tpu.memory_space<vmem_shared>>) offsets(%dma_start3A_253 : memref<40xi32, #tpu.memory_space<vmem>>) semaphore(%arg22 : memref<!tpu.dma_semaphore, #tpu.memory_space<semaphore_mem>>) {add = true}
      %mul3A_257 = arith.constant 5 : i32
      %mul3A_258 = arith.muli %scan3A_228, %mul3A_257 : i32
      %add3A_259 = arith.constant 1 : i32
      %add3A_260 = arith.addi %mul3A_258, %add3A_259 : i32
      %mul3A_261 = arith.constant 40 : i32
      %mul3A_262 = arith.muli %add3A_260, %mul3A_261 : i32
      %dma_wait3A_263 = tpu.memref_slice %arg6[%mul3A_262] : memref<5000xi32, #tpu.memory_space<vmem>> -> memref<40xi32, #tpu.memory_space<vmem>>
      %dma_wait3A_264 = arith.constant 0 : i32
      %dma_wait3A_265 = arith.constant 0 : i32
      %dma_wait3A_266 = tpu.memref_slice %arg2[%dma_wait3A_264, %dma_wait3A_265] : memref<10000x128xf32, #tpu.memory_space<hbm>> -> memref<10000x128xf32, #tpu.memory_space<hbm>>
      tpu.wait_indirect_dma semaphore(%arg18 : memref<!tpu.dma_semaphore, #tpu.memory_space<semaphore_mem>>) src(%dma_wait3A_266 : memref<10000x128xf32, #tpu.memory_space<hbm>>) dst(%arg9 : memref<40x128xf32, #tpu.memory_space<vmem>>)
      %mul3A_267 = arith.constant 40 : i32
      %mul3A_268 = arith.muli %add3A_260, %mul3A_267 : i32
      "tpu.region"() ({
        %run_scoped3A_369 = tpu.sem_alloc : memref<!tpu.dma_semaphore, #tpu.memory_space<semaphore_mem>>
        %dma_start3A_370 = tpu.memref_slice %arg7[%mul3A_268] : memref<5000xi32, #tpu.memory_space<vmem>> -> memref<40xi32, #tpu.memory_space<vmem>>
        %dma_start3A_371 = arith.constant 0 : i32
        %dma_start3A_372 = arith.constant 0 : i32
        %dma_start3A_373 = tpu.memref_slice %arg15[%dma_start3A_371, %dma_start3A_372] : memref<10000x128xf32, #tpu.memory_space<vmem_shared>> -> memref<10000x128xf32, #tpu.memory_space<vmem_shared>>
        tpu.enqueue_indirect_dma source(%arg9 : memref<40x128xf32, #tpu.memory_space<vmem>>) target(%dma_start3A_373 : memref<10000x128xf32, #tpu.memory_space<vmem_shared>>) offsets(%dma_start3A_370 : memref<40xi32, #tpu.memory_space<vmem>>) semaphore(%run_scoped3A_369 : memref<!tpu.dma_semaphore, #tpu.memory_space<semaphore_mem>>) {add = true}
        %dma_wait3A_374 = tpu.memref_slice %arg7[%mul3A_268] : memref<5000xi32, #tpu.memory_space<vmem>> -> memref<40xi32, #tpu.memory_space<vmem>>
        %dma_wait3A_375 = arith.constant 0 : i32
        %dma_wait3A_376 = arith.constant 0 : i32
        %dma_wait3A_377 = tpu.memref_slice %arg15[%dma_wait3A_375, %dma_wait3A_376] : memref<10000x128xf32, #tpu.memory_space<vmem_shared>> -> memref<10000x128xf32, #tpu.memory_space<vmem_shared>>
        tpu.wait_indirect_dma semaphore(%run_scoped3A_369 : memref<!tpu.dma_semaphore, #tpu.memory_space<semaphore_mem>>) src(%arg9 : memref<40x128xf32, #tpu.memory_space<vmem>>) dst(%dma_wait3A_377 : memref<10000x128xf32, #tpu.memory_space<vmem_shared>>)
        tpu.yield
      }) : () -> ()
      %add3A_269 = arith.constant 5 : i32
      %add3A_270 = arith.addi %add3A_260, %add3A_269 : i32
      %mul3A_271 = arith.constant 40 : i32
      %mul3A_272 = arith.muli %add3A_270, %mul3A_271 : i32
      %dma_start3A_273 = tpu.memref_slice %arg6[%mul3A_272] : memref<5000xi32, #tpu.memory_space<vmem>> -> memref<40xi32, #tpu.memory_space<vmem>>
      %dma_start3A_274 = arith.constant 0 : i32
      %dma_start3A_275 = arith.constant 0 : i32
      %dma_start3A_276 = tpu.memref_slice %arg2[%dma_start3A_274, %dma_start3A_275] : memref<10000x128xf32, #tpu.memory_space<hbm>> -> memref<10000x128xf32, #tpu.memory_space<hbm>>
      tpu.enqueue_indirect_dma source(%dma_start3A_276 : memref<10000x128xf32, #tpu.memory_space<hbm>>) target(%arg9 : memref<40x128xf32, #tpu.memory_space<vmem>>) offsets(%dma_start3A_273 : memref<40xi32, #tpu.memory_space<vmem>>) semaphore(%arg18 : memref<!tpu.dma_semaphore, #tpu.memory_space<semaphore_mem>>)
      %add3A_277 = arith.constant 5 : i32
      %add3A_278 = arith.addi %add3A_260, %add3A_277 : i32
      %mul3A_279 = arith.constant 40 : i32
      %mul3A_280 = arith.muli %add3A_278, %mul3A_279 : i32
      %dma_start3A_281 = tpu.memref_slice %arg7[%mul3A_280] : memref<5000xi32, #tpu.memory_space<vmem>> -> memref<40xi32, #tpu.memory_space<vmem>>
      %dma_start3A_282 = arith.constant 0 : i32
      %dma_start3A_283 = arith.constant 0 : i32
      %dma_start3A_284 = tpu.memref_slice %arg16[%dma_start3A_282, %dma_start3A_283] : memref<10000x16xf32, #tpu.memory_space<vmem_shared>> -> memref<10000x16xf32, #tpu.memory_space<vmem_shared>>
      tpu.enqueue_indirect_dma source(%arg13 : memref<40x16xf32, #tpu.memory_space<vmem>>) target(%dma_start3A_284 : memref<10000x16xf32, #tpu.memory_space<vmem_shared>>) offsets(%dma_start3A_281 : memref<40xi32, #tpu.memory_space<vmem>>) semaphore(%arg22 : memref<!tpu.dma_semaphore, #tpu.memory_space<semaphore_mem>>) {add = true}
      %mul3A_285 = arith.constant 5 : i32
      %mul3A_286 = arith.muli %scan3A_228, %mul3A_285 : i32
      %add3A_287 = arith.constant 2 : i32
      %add3A_288 = arith.addi %mul3A_286, %add3A_287 : i32
      %mul3A_289 = arith.constant 40 : i32
      %mul3A_290 = arith.muli %add3A_288, %mul3A_289 : i32
      %dma_wait3A_291 = tpu.memref_slice %arg6[%mul3A_290] : memref<5000xi32, #tpu.memory_space<vmem>> -> memref<40xi32, #tpu.memory_space<vmem>>
      %dma_wait3A_292 = arith.constant 0 : i32
      %dma_wait3A_293 = arith.constant 0 : i32
      %dma_wait3A_294 = tpu.memref_slice %arg2[%dma_wait3A_292, %dma_wait3A_293] : memref<10000x128xf32, #tpu.memory_space<hbm>> -> memref<10000x128xf32, #tpu.memory_space<hbm>>
      tpu.wait_indirect_dma semaphore(%arg19 : memref<!tpu.dma_semaphore, #tpu.memory_space<semaphore_mem>>) src(%dma_wait3A_294 : memref<10000x128xf32, #tpu.memory_space<hbm>>) dst(%arg10 : memref<40x128xf32, #tpu.memory_space<vmem>>)
      %mul3A_295 = arith.constant 40 : i32
      %mul3A_296 = arith.muli %add3A_288, %mul3A_295 : i32
      "tpu.region"() ({
        %run_scoped3A_369 = tpu.sem_alloc : memref<!tpu.dma_semaphore, #tpu.memory_space<semaphore_mem>>
        %dma_start3A_370 = tpu.memref_slice %arg7[%mul3A_296] : memref<5000xi32, #tpu.memory_space<vmem>> -> memref<40xi32, #tpu.memory_space<vmem>>
        %dma_start3A_371 = arith.constant 0 : i32
        %dma_start3A_372 = arith.constant 0 : i32
        %dma_start3A_373 = tpu.memref_slice %arg15[%dma_start3A_371, %dma_start3A_372] : memref<10000x128xf32, #tpu.memory_space<vmem_shared>> -> memref<10000x128xf32, #tpu.memory_space<vmem_shared>>
        tpu.enqueue_indirect_dma source(%arg10 : memref<40x128xf32, #tpu.memory_space<vmem>>) target(%dma_start3A_373 : memref<10000x128xf32, #tpu.memory_space<vmem_shared>>) offsets(%dma_start3A_370 : memref<40xi32, #tpu.memory_space<vmem>>) semaphore(%run_scoped3A_369 : memref<!tpu.dma_semaphore, #tpu.memory_space<semaphore_mem>>) {add = true}
        %dma_wait3A_374 = tpu.memref_slice %arg7[%mul3A_296] : memref<5000xi32, #tpu.memory_space<vmem>> -> memref<40xi32, #tpu.memory_space<vmem>>
        %dma_wait3A_375 = arith.constant 0 : i32
        %dma_wait3A_376 = arith.constant 0 : i32
        %dma_wait3A_377 = tpu.memref_slice %arg15[%dma_wait3A_375, %dma_wait3A_376] : memref<10000x128xf32, #tpu.memory_space<vmem_shared>> -> memref<10000x128xf32, #tpu.memory_space<vmem_shared>>
        tpu.wait_indirect_dma semaphore(%run_scoped3A_369 : memref<!tpu.dma_semaphore, #tpu.memory_space<semaphore_mem>>) src(%arg10 : memref<40x128xf32, #tpu.memory_space<vmem>>) dst(%dma_wait3A_377 : memref<10000x128xf32, #tpu.memory_space<vmem_shared>>)
        tpu.yield
      }) : () -> ()
      %add3A_297 = arith.constant 5 : i32
      %add3A_298 = arith.addi %add3A_288, %add3A_297 : i32
      %mul3A_299 = arith.constant 40 : i32
      %mul3A_300 = arith.muli %add3A_298, %mul3A_299 : i32
      %dma_start3A_301 = tpu.memref_slice %arg6[%mul3A_300] : memref<5000xi32, #tpu.memory_space<vmem>> -> memref<40xi32, #tpu.memory_space<vmem>>
      %dma_start3A_302 = arith.constant 0 : i32
      %dma_start3A_303 = arith.constant 0 : i32
      %dma_start3A_304 = tpu.memref_slice %arg2[%dma_start3A_302, %dma_start3A_303] : memref<10000x128xf32, #tpu.memory_space<hbm>> -> memref<10000x128xf32, #tpu.memory_space<hbm>>
      tpu.enqueue_indirect_dma source(%dma_start3A_304 : memref<10000x128xf32, #tpu.memory_space<hbm>>) target(%arg10 : memref<40x128xf32, #tpu.memory_space<vmem>>) offsets(%dma_start3A_301 : memref<40xi32, #tpu.memory_space<vmem>>) semaphore(%arg19 : memref<!tpu.dma_semaphore, #tpu.memory_space<semaphore_mem>>)
      %add3A_305 = arith.constant 5 : i32
      %add3A_306 = arith.addi %add3A_288, %add3A_305 : i32
      %mul3A_307 = arith.constant 40 : i32
      %mul3A_308 = arith.muli %add3A_306, %mul3A_307 : i32
      %dma_start3A_309 = tpu.memref_slice %arg7[%mul3A_308] : memref<5000xi32, #tpu.memory_space<vmem>> -> memref<40xi32, #tpu.memory_space<vmem>>
      %dma_start3A_310 = arith.constant 0 : i32
      %dma_start3A_311 = arith.constant 0 : i32
      %dma_start3A_312 = tpu.memref_slice %arg16[%dma_start3A_310, %dma_start3A_311] : memref<10000x16xf32, #tpu.memory_space<vmem_shared>> -> memref<10000x16xf32, #tpu.memory_space<vmem_shared>>
      tpu.enqueue_indirect_dma source(%arg13 : memref<40x16xf32, #tpu.memory_space<vmem>>) target(%dma_start3A_312 : memref<10000x16xf32, #tpu.memory_space<vmem_shared>>) offsets(%dma_start3A_309 : memref<40xi32, #tpu.memory_space<vmem>>) semaphore(%arg22 : memref<!tpu.dma_semaphore, #tpu.memory_space<semaphore_mem>>) {add = true}
      %mul3A_313 = arith.constant 5 : i32
      %mul3A_314 = arith.muli %scan3A_228, %mul3A_313 : i32
      %add3A_315 = arith.constant 3 : i32
      %add3A_316 = arith.addi %mul3A_314, %add3A_315 : i32
      %mul3A_317 = arith.constant 40 : i32
      %mul3A_318 = arith.muli %add3A_316, %mul3A_317 : i32
      %dma_wait3A_319 = tpu.memref_slice %arg6[%mul3A_318] : memref<5000xi32, #tpu.memory_space<vmem>> -> memref<40xi32, #tpu.memory_space<vmem>>
      %dma_wait3A_320 = arith.constant 0 : i32
      %dma_wait3A_321 = arith.constant 0 : i32
      %dma_wait3A_322 = tpu.memref_slice %arg2[%dma_wait3A_320, %dma_wait3A_321] : memref<10000x128xf32, #tpu.memory_space<hbm>> -> memref<10000x128xf32, #tpu.memory_space<hbm>>
      tpu.wait_indirect_dma semaphore(%arg20 : memref<!tpu.dma_semaphore, #tpu.memory_space<semaphore_mem>>) src(%dma_wait3A_322 : memref<10000x128xf32, #tpu.memory_space<hbm>>) dst(%arg11 : memref<40x128xf32, #tpu.memory_space<vmem>>)
      %mul3A_323 = arith.constant 40 : i32
      %mul3A_324 = arith.muli %add3A_316, %mul3A_323 : i32
      "tpu.region"() ({
        %run_scoped3A_369 = tpu.sem_alloc : memref<!tpu.dma_semaphore, #tpu.memory_space<semaphore_mem>>
        %dma_start3A_370 = tpu.memref_slice %arg7[%mul3A_324] : memref<5000xi32, #tpu.memory_space<vmem>> -> memref<40xi32, #tpu.memory_space<vmem>>
        %dma_start3A_371 = arith.constant 0 : i32
        %dma_start3A_372 = arith.constant 0 : i32
        %dma_start3A_373 = tpu.memref_slice %arg15[%dma_start3A_371, %dma_start3A_372] : memref<10000x128xf32, #tpu.memory_space<vmem_shared>> -> memref<10000x128xf32, #tpu.memory_space<vmem_shared>>
        tpu.enqueue_indirect_dma source(%arg11 : memref<40x128xf32, #tpu.memory_space<vmem>>) target(%dma_start3A_373 : memref<10000x128xf32, #tpu.memory_space<vmem_shared>>) offsets(%dma_start3A_370 : memref<40xi32, #tpu.memory_space<vmem>>) semaphore(%run_scoped3A_369 : memref<!tpu.dma_semaphore, #tpu.memory_space<semaphore_mem>>) {add = true}
        %dma_wait3A_374 = tpu.memref_slice %arg7[%mul3A_324] : memref<5000xi32, #tpu.memory_space<vmem>> -> memref<40xi32, #tpu.memory_space<vmem>>
        %dma_wait3A_375 = arith.constant 0 : i32
        %dma_wait3A_376 = arith.constant 0 : i32
        %dma_wait3A_377 = tpu.memref_slice %arg15[%dma_wait3A_375, %dma_wait3A_376] : memref<10000x128xf32, #tpu.memory_space<vmem_shared>> -> memref<10000x128xf32, #tpu.memory_space<vmem_shared>>
        tpu.wait_indirect_dma semaphore(%run_scoped3A_369 : memref<!tpu.dma_semaphore, #tpu.memory_space<semaphore_mem>>) src(%arg11 : memref<40x128xf32, #tpu.memory_space<vmem>>) dst(%dma_wait3A_377 : memref<10000x128xf32, #tpu.memory_space<vmem_shared>>)
        tpu.yield
      }) : () -> ()
      %add3A_325 = arith.constant 5 : i32
      %add3A_326 = arith.addi %add3A_316, %add3A_325 : i32
      %mul3A_327 = arith.constant 40 : i32
      %mul3A_328 = arith.muli %add3A_326, %mul3A_327 : i32
      %dma_start3A_329 = tpu.memref_slice %arg6[%mul3A_328] : memref<5000xi32, #tpu.memory_space<vmem>> -> memref<40xi32, #tpu.memory_space<vmem>>
      %dma_start3A_330 = arith.constant 0 : i32
      %dma_start3A_331 = arith.constant 0 : i32
      %dma_start3A_332 = tpu.memref_slice %arg2[%dma_start3A_330, %dma_start3A_331] : memref<10000x128xf32, #tpu.memory_space<hbm>> -> memref<10000x128xf32, #tpu.memory_space<hbm>>
      tpu.enqueue_indirect_dma source(%dma_start3A_332 : memref<10000x128xf32, #tpu.memory_space<hbm>>) target(%arg11 : memref<40x128xf32, #tpu.memory_space<vmem>>) offsets(%dma_start3A_329 : memref<40xi32, #tpu.memory_space<vmem>>) semaphore(%arg20 : memref<!tpu.dma_semaphore, #tpu.memory_space<semaphore_mem>>)
      %add3A_333 = arith.constant 5 : i32
      %add3A_334 = arith.addi %add3A_316, %add3A_333 : i32
      %mul3A_335 = arith.constant 40 : i32
      %mul3A_336 = arith.muli %add3A_334, %mul3A_335 : i32
      %dma_start3A_337 = tpu.memref_slice %arg7[%mul3A_336] : memref<5000xi32, #tpu.memory_space<vmem>> -> memref<40xi32, #tpu.memory_space<vmem>>
      %dma_start3A_338 = arith.constant 0 : i32
      %dma_start3A_339 = arith.constant 0 : i32
      %dma_start3A_340 = tpu.memref_slice %arg16[%dma_start3A_338, %dma_start3A_339] : memref<10000x16xf32, #tpu.memory_space<vmem_shared>> -> memref<10000x16xf32, #tpu.memory_space<vmem_shared>>
      tpu.enqueue_indirect_dma source(%arg13 : memref<40x16xf32, #tpu.memory_space<vmem>>) target(%dma_start3A_340 : memref<10000x16xf32, #tpu.memory_space<vmem_shared>>) offsets(%dma_start3A_337 : memref<40xi32, #tpu.memory_space<vmem>>) semaphore(%arg22 : memref<!tpu.dma_semaphore, #tpu.memory_space<semaphore_mem>>) {add = true}
      %mul3A_341 = arith.constant 5 : i32
      %mul3A_342 = arith.muli %scan3A_228, %mul3A_341 : i32
      %add3A_343 = arith.constant 4 : i32
      %add3A_344 = arith.addi %mul3A_342, %add3A_343 : i32
      %mul3A_345 = arith.constant 40 : i32
      %mul3A_346 = arith.muli %add3A_344, %mul3A_345 : i32
      %dma_wait3A_347 = tpu.memref_slice %arg6[%mul3A_346] : memref<5000xi32, #tpu.memory_space<vmem>> -> memref<40xi32, #tpu.memory_space<vmem>>
      %dma_wait3A_348 = arith.constant 0 : i32
      %dma_wait3A_349 = arith.constant 0 : i32
      %dma_wait3A_350 = tpu.memref_slice %arg2[%dma_wait3A_348, %dma_wait3A_349] : memref<10000x128xf32, #tpu.memory_space<hbm>> -> memref<10000x128xf32, #tpu.memory_space<hbm>>
      tpu.wait_indirect_dma semaphore(%arg21 : memref<!tpu.dma_semaphore, #tpu.memory_space<semaphore_mem>>) src(%dma_wait3A_350 : memref<10000x128xf32, #tpu.memory_space<hbm>>) dst(%arg12 : memref<40x128xf32, #tpu.memory_space<vmem>>)
      %mul3A_351 = arith.constant 40 : i32
      %mul3A_352 = arith.muli %add3A_344, %mul3A_351 : i32
      "tpu.region"() ({
        %run_scoped3A_369 = tpu.sem_alloc : memref<!tpu.dma_semaphore, #tpu.memory_space<semaphore_mem>>
        %dma_start3A_370 = tpu.memref_slice %arg7[%mul3A_352] : memref<5000xi32, #tpu.memory_space<vmem>> -> memref<40xi32, #tpu.memory_space<vmem>>
        %dma_start3A_371 = arith.constant 0 : i32
        %dma_start3A_372 = arith.constant 0 : i32
        %dma_start3A_373 = tpu.memref_slice %arg15[%dma_start3A_371, %dma_start3A_372] : memref<10000x128xf32, #tpu.memory_space<vmem_shared>> -> memref<10000x128xf32, #tpu.memory_space<vmem_shared>>
        tpu.enqueue_indirect_dma source(%arg12 : memref<40x128xf32, #tpu.memory_space<vmem>>) target(%dma_start3A_373 : memref<10000x128xf32, #tpu.memory_space<vmem_shared>>) offsets(%dma_start3A_370 : memref<40xi32, #tpu.memory_space<vmem>>) semaphore(%run_scoped3A_369 : memref<!tpu.dma_semaphore, #tpu.memory_space<semaphore_mem>>) {add = true}
        %dma_wait3A_374 = tpu.memref_slice %arg7[%mul3A_352] : memref<5000xi32, #tpu.memory_space<vmem>> -> memref<40xi32, #tpu.memory_space<vmem>>
        %dma_wait3A_375 = arith.constant 0 : i32
        %dma_wait3A_376 = arith.constant 0 : i32
        %dma_wait3A_377 = tpu.memref_slice %arg15[%dma_wait3A_375, %dma_wait3A_376] : memref<10000x128xf32, #tpu.memory_space<vmem_shared>> -> memref<10000x128xf32, #tpu.memory_space<vmem_shared>>
        tpu.wait_indirect_dma semaphore(%run_scoped3A_369 : memref<!tpu.dma_semaphore, #tpu.memory_space<semaphore_mem>>) src(%arg12 : memref<40x128xf32, #tpu.memory_space<vmem>>) dst(%dma_wait3A_377 : memref<10000x128xf32, #tpu.memory_space<vmem_shared>>)
        tpu.yield
      }) : () -> ()
      %add3A_353 = arith.constant 5 : i32
      %add3A_354 = arith.addi %add3A_344, %add3A_353 : i32
      %mul3A_355 = arith.constant 40 : i32
      %mul3A_356 = arith.muli %add3A_354, %mul3A_355 : i32
      %dma_start3A_357 = tpu.memref_slice %arg6[%mul3A_356] : memref<5000xi32, #tpu.memory_space<vmem>> -> memref<40xi32, #tpu.memory_space<vmem>>
      %dma_start3A_358 = arith.constant 0 : i32
      %dma_start3A_359 = arith.constant 0 : i32
      %dma_start3A_360 = tpu.memref_slice %arg2[%dma_start3A_358, %dma_start3A_359] : memref<10000x128xf32, #tpu.memory_space<hbm>> -> memref<10000x128xf32, #tpu.memory_space<hbm>>
      tpu.enqueue_indirect_dma source(%dma_start3A_360 : memref<10000x128xf32, #tpu.memory_space<hbm>>) target(%arg12 : memref<40x128xf32, #tpu.memory_space<vmem>>) offsets(%dma_start3A_357 : memref<40xi32, #tpu.memory_space<vmem>>) semaphore(%arg21 : memref<!tpu.dma_semaphore, #tpu.memory_space<semaphore_mem>>)
      %add3A_361 = arith.constant 5 : i32
      %add3A_362 = arith.addi %add3A_344, %add3A_361 : i32
      %mul3A_363 = arith.constant 40 : i32
      %mul3A_364 = arith.muli %add3A_362, %mul3A_363 : i32
      %dma_start3A_365 = tpu.memref_slice %arg7[%mul3A_364] : memref<5000xi32, #tpu.memory_space<vmem>> -> memref<40xi32, #tpu.memory_space<vmem>>
      %dma_start3A_366 = arith.constant 0 : i32
      %dma_start3A_367 = arith.constant 0 : i32
      %dma_start3A_368 = tpu.memref_slice %arg16[%dma_start3A_366, %dma_start3A_367] : memref<10000x16xf32, #tpu.memory_space<vmem_shared>> -> memref<10000x16xf32, #tpu.memory_space<vmem_shared>>
      tpu.enqueue_indirect_dma source(%arg13 : memref<40x16xf32, #tpu.memory_space<vmem>>) target(%dma_start3A_368 : memref<10000x16xf32, #tpu.memory_space<vmem_shared>>) offsets(%dma_start3A_365 : memref<40xi32, #tpu.memory_space<vmem>>) semaphore(%arg22 : memref<!tpu.dma_semaphore, #tpu.memory_space<semaphore_mem>>) {add = true}
    }
    %scan3A_183 = arith.constant 24 : i32
    %dma_wait3A_184 = arith.constant 4800 : i32
    %dma_wait3A_185 = tpu.memref_slice %arg6[%dma_wait3A_184] : memref<5000xi32, #tpu.memory_space<vmem>> -> memref<40xi32, #tpu.memory_space<vmem>>
    %dma_wait3A_186 = arith.constant 0 : i32
    %dma_wait3A_187 = arith.constant 0 : i32
    %dma_wait3A_188 = tpu.memref_slice %arg2[%dma_wait3A_186, %dma_wait3A_187] : memref<10000x128xf32, #tpu.memory_space<hbm>> -> memref<10000x128xf32, #tpu.memory_space<hbm>>
    tpu.wait_indirect_dma semaphore(%arg17 : memref<!tpu.dma_semaphore, #tpu.memory_space<semaphore_mem>>) src(%dma_wait3A_188 : memref<10000x128xf32, #tpu.memory_space<hbm>>) dst(%arg8 : memref<40x128xf32, #tpu.memory_space<vmem>>)
    "tpu.region"() ({
      %run_scoped3A_228 = tpu.sem_alloc : memref<!tpu.dma_semaphore, #tpu.memory_space<semaphore_mem>>
      %dma_start3A_229 = arith.constant 4800 : i32
      %dma_start3A_230 = tpu.memref_slice %arg7[%dma_start3A_229] : memref<5000xi32, #tpu.memory_space<vmem>> -> memref<40xi32, #tpu.memory_space<vmem>>
      %dma_start3A_231 = arith.constant 0 : i32
      %dma_start3A_232 = arith.constant 0 : i32
      %dma_start3A_233 = tpu.memref_slice %arg15[%dma_start3A_231, %dma_start3A_232] : memref<10000x128xf32, #tpu.memory_space<vmem_shared>> -> memref<10000x128xf32, #tpu.memory_space<vmem_shared>>
      tpu.enqueue_indirect_dma source(%arg8 : memref<40x128xf32, #tpu.memory_space<vmem>>) target(%dma_start3A_233 : memref<10000x128xf32, #tpu.memory_space<vmem_shared>>) offsets(%dma_start3A_230 : memref<40xi32, #tpu.memory_space<vmem>>) semaphore(%run_scoped3A_228 : memref<!tpu.dma_semaphore, #tpu.memory_space<semaphore_mem>>) {add = true}
      %dma_wait3A_234 = arith.constant 4800 : i32
      %dma_wait3A_235 = tpu.memref_slice %arg7[%dma_wait3A_234] : memref<5000xi32, #tpu.memory_space<vmem>> -> memref<40xi32, #tpu.memory_space<vmem>>
      %dma_wait3A_236 = arith.constant 0 : i32
      %dma_wait3A_237 = arith.constant 0 : i32
      %dma_wait3A_238 = tpu.memref_slice %arg15[%dma_wait3A_236, %dma_wait3A_237] : memref<10000x128xf32, #tpu.memory_space<vmem_shared>> -> memref<10000x128xf32, #tpu.memory_space<vmem_shared>>
      tpu.wait_indirect_dma semaphore(%run_scoped3A_228 : memref<!tpu.dma_semaphore, #tpu.memory_space<semaphore_mem>>) src(%arg8 : memref<40x128xf32, #tpu.memory_space<vmem>>) dst(%dma_wait3A_238 : memref<10000x128xf32, #tpu.memory_space<vmem_shared>>)
      tpu.yield
    }) : () -> ()
    %dma_wait3A_189 = arith.constant 4840 : i32
    %dma_wait3A_190 = tpu.memref_slice %arg6[%dma_wait3A_189] : memref<5000xi32, #tpu.memory_space<vmem>> -> memref<40xi32, #tpu.memory_space<vmem>>
    %dma_wait3A_191 = arith.constant 0 : i32
    %dma_wait3A_192 = arith.constant 0 : i32
    %dma_wait3A_193 = tpu.memref_slice %arg2[%dma_wait3A_191, %dma_wait3A_192] : memref<10000x128xf32, #tpu.memory_space<hbm>> -> memref<10000x128xf32, #tpu.memory_space<hbm>>
    tpu.wait_indirect_dma semaphore(%arg18 : memref<!tpu.dma_semaphore, #tpu.memory_space<semaphore_mem>>) src(%dma_wait3A_193 : memref<10000x128xf32, #tpu.memory_space<hbm>>) dst(%arg9 : memref<40x128xf32, #tpu.memory_space<vmem>>)
    "tpu.region"() ({
      %run_scoped3A_228 = tpu.sem_alloc : memref<!tpu.dma_semaphore, #tpu.memory_space<semaphore_mem>>
      %dma_start3A_229 = arith.constant 4840 : i32
      %dma_start3A_230 = tpu.memref_slice %arg7[%dma_start3A_229] : memref<5000xi32, #tpu.memory_space<vmem>> -> memref<40xi32, #tpu.memory_space<vmem>>
      %dma_start3A_231 = arith.constant 0 : i32
      %dma_start3A_232 = arith.constant 0 : i32
      %dma_start3A_233 = tpu.memref_slice %arg15[%dma_start3A_231, %dma_start3A_232] : memref<10000x128xf32, #tpu.memory_space<vmem_shared>> -> memref<10000x128xf32, #tpu.memory_space<vmem_shared>>
      tpu.enqueue_indirect_dma source(%arg9 : memref<40x128xf32, #tpu.memory_space<vmem>>) target(%dma_start3A_233 : memref<10000x128xf32, #tpu.memory_space<vmem_shared>>) offsets(%dma_start3A_230 : memref<40xi32, #tpu.memory_space<vmem>>) semaphore(%run_scoped3A_228 : memref<!tpu.dma_semaphore, #tpu.memory_space<semaphore_mem>>) {add = true}
      %dma_wait3A_234 = arith.constant 4840 : i32
      %dma_wait3A_235 = tpu.memref_slice %arg7[%dma_wait3A_234] : memref<5000xi32, #tpu.memory_space<vmem>> -> memref<40xi32, #tpu.memory_space<vmem>>
      %dma_wait3A_236 = arith.constant 0 : i32
      %dma_wait3A_237 = arith.constant 0 : i32
      %dma_wait3A_238 = tpu.memref_slice %arg15[%dma_wait3A_236, %dma_wait3A_237] : memref<10000x128xf32, #tpu.memory_space<vmem_shared>> -> memref<10000x128xf32, #tpu.memory_space<vmem_shared>>
      tpu.wait_indirect_dma semaphore(%run_scoped3A_228 : memref<!tpu.dma_semaphore, #tpu.memory_space<semaphore_mem>>) src(%arg9 : memref<40x128xf32, #tpu.memory_space<vmem>>) dst(%dma_wait3A_238 : memref<10000x128xf32, #tpu.memory_space<vmem_shared>>)
      tpu.yield
    }) : () -> ()
    %dma_wait3A_194 = arith.constant 4880 : i32
    %dma_wait3A_195 = tpu.memref_slice %arg6[%dma_wait3A_194] : memref<5000xi32, #tpu.memory_space<vmem>> -> memref<40xi32, #tpu.memory_space<vmem>>
    %dma_wait3A_196 = arith.constant 0 : i32
    %dma_wait3A_197 = arith.constant 0 : i32
    %dma_wait3A_198 = tpu.memref_slice %arg2[%dma_wait3A_196, %dma_wait3A_197] : memref<10000x128xf32, #tpu.memory_space<hbm>> -> memref<10000x128xf32, #tpu.memory_space<hbm>>
    tpu.wait_indirect_dma semaphore(%arg19 : memref<!tpu.dma_semaphore, #tpu.memory_space<semaphore_mem>>) src(%dma_wait3A_198 : memref<10000x128xf32, #tpu.memory_space<hbm>>) dst(%arg10 : memref<40x128xf32, #tpu.memory_space<vmem>>)
    "tpu.region"() ({
      %run_scoped3A_228 = tpu.sem_alloc : memref<!tpu.dma_semaphore, #tpu.memory_space<semaphore_mem>>
      %dma_start3A_229 = arith.constant 4880 : i32
      %dma_start3A_230 = tpu.memref_slice %arg7[%dma_start3A_229] : memref<5000xi32, #tpu.memory_space<vmem>> -> memref<40xi32, #tpu.memory_space<vmem>>
      %dma_start3A_231 = arith.constant 0 : i32
      %dma_start3A_232 = arith.constant 0 : i32
      %dma_start3A_233 = tpu.memref_slice %arg15[%dma_start3A_231, %dma_start3A_232] : memref<10000x128xf32, #tpu.memory_space<vmem_shared>> -> memref<10000x128xf32, #tpu.memory_space<vmem_shared>>
      tpu.enqueue_indirect_dma source(%arg10 : memref<40x128xf32, #tpu.memory_space<vmem>>) target(%dma_start3A_233 : memref<10000x128xf32, #tpu.memory_space<vmem_shared>>) offsets(%dma_start3A_230 : memref<40xi32, #tpu.memory_space<vmem>>) semaphore(%run_scoped3A_228 : memref<!tpu.dma_semaphore, #tpu.memory_space<semaphore_mem>>) {add = true}
      %dma_wait3A_234 = arith.constant 4880 : i32
      %dma_wait3A_235 = tpu.memref_slice %arg7[%dma_wait3A_234] : memref<5000xi32, #tpu.memory_space<vmem>> -> memref<40xi32, #tpu.memory_space<vmem>>
      %dma_wait3A_236 = arith.constant 0 : i32
      %dma_wait3A_237 = arith.constant 0 : i32
      %dma_wait3A_238 = tpu.memref_slice %arg15[%dma_wait3A_236, %dma_wait3A_237] : memref<10000x128xf32, #tpu.memory_space<vmem_shared>> -> memref<10000x128xf32, #tpu.memory_space<vmem_shared>>
      tpu.wait_indirect_dma semaphore(%run_scoped3A_228 : memref<!tpu.dma_semaphore, #tpu.memory_space<semaphore_mem>>) src(%arg10 : memref<40x128xf32, #tpu.memory_space<vmem>>) dst(%dma_wait3A_238 : memref<10000x128xf32, #tpu.memory_space<vmem_shared>>)
      tpu.yield
    }) : () -> ()
    %dma_wait3A_199 = arith.constant 4920 : i32
    %dma_wait3A_200 = tpu.memref_slice %arg6[%dma_wait3A_199] : memref<5000xi32, #tpu.memory_space<vmem>> -> memref<40xi32, #tpu.memory_space<vmem>>
    %dma_wait3A_201 = arith.constant 0 : i32
    %dma_wait3A_202 = arith.constant 0 : i32
    %dma_wait3A_203 = tpu.memref_slice %arg2[%dma_wait3A_201, %dma_wait3A_202] : memref<10000x128xf32, #tpu.memory_space<hbm>> -> memref<10000x128xf32, #tpu.memory_space<hbm>>
    tpu.wait_indirect_dma semaphore(%arg20 : memref<!tpu.dma_semaphore, #tpu.memory_space<semaphore_mem>>) src(%dma_wait3A_203 : memref<10000x128xf32, #tpu.memory_space<hbm>>) dst(%arg11 : memref<40x128xf32, #tpu.memory_space<vmem>>)
    "tpu.region"() ({
      %run_scoped3A_228 = tpu.sem_alloc : memref<!tpu.dma_semaphore, #tpu.memory_space<semaphore_mem>>
      %dma_start3A_229 = arith.constant 4920 : i32
      %dma_start3A_230 = tpu.memref_slice %arg7[%dma_start3A_229] : memref<5000xi32, #tpu.memory_space<vmem>> -> memref<40xi32, #tpu.memory_space<vmem>>
      %dma_start3A_231 = arith.constant 0 : i32
      %dma_start3A_232 = arith.constant 0 : i32
      %dma_start3A_233 = tpu.memref_slice %arg15[%dma_start3A_231, %dma_start3A_232] : memref<10000x128xf32, #tpu.memory_space<vmem_shared>> -> memref<10000x128xf32, #tpu.memory_space<vmem_shared>>
      tpu.enqueue_indirect_dma source(%arg11 : memref<40x128xf32, #tpu.memory_space<vmem>>) target(%dma_start3A_233 : memref<10000x128xf32, #tpu.memory_space<vmem_shared>>) offsets(%dma_start3A_230 : memref<40xi32, #tpu.memory_space<vmem>>) semaphore(%run_scoped3A_228 : memref<!tpu.dma_semaphore, #tpu.memory_space<semaphore_mem>>) {add = true}
      %dma_wait3A_234 = arith.constant 4920 : i32
      %dma_wait3A_235 = tpu.memref_slice %arg7[%dma_wait3A_234] : memref<5000xi32, #tpu.memory_space<vmem>> -> memref<40xi32, #tpu.memory_space<vmem>>
      %dma_wait3A_236 = arith.constant 0 : i32
      %dma_wait3A_237 = arith.constant 0 : i32
      %dma_wait3A_238 = tpu.memref_slice %arg15[%dma_wait3A_236, %dma_wait3A_237] : memref<10000x128xf32, #tpu.memory_space<vmem_shared>> -> memref<10000x128xf32, #tpu.memory_space<vmem_shared>>
      tpu.wait_indirect_dma semaphore(%run_scoped3A_228 : memref<!tpu.dma_semaphore, #tpu.memory_space<semaphore_mem>>) src(%arg11 : memref<40x128xf32, #tpu.memory_space<vmem>>) dst(%dma_wait3A_238 : memref<10000x128xf32, #tpu.memory_space<vmem_shared>>)
      tpu.yield
    }) : () -> ()
    %dma_wait3A_204 = arith.constant 4960 : i32
    %dma_wait3A_205 = tpu.memref_slice %arg6[%dma_wait3A_204] : memref<5000xi32, #tpu.memory_space<vmem>> -> memref<40xi32, #tpu.memory_space<vmem>>
    %dma_wait3A_206 = arith.constant 0 : i32
    %dma_wait3A_207 = arith.constant 0 : i32
    %dma_wait3A_208 = tpu.memref_slice %arg2[%dma_wait3A_206, %dma_wait3A_207] : memref<10000x128xf32, #tpu.memory_space<hbm>> -> memref<10000x128xf32, #tpu.memory_space<hbm>>
    tpu.wait_indirect_dma semaphore(%arg21 : memref<!tpu.dma_semaphore, #tpu.memory_space<semaphore_mem>>) src(%dma_wait3A_208 : memref<10000x128xf32, #tpu.memory_space<hbm>>) dst(%arg12 : memref<40x128xf32, #tpu.memory_space<vmem>>)
    "tpu.region"() ({
      %run_scoped3A_228 = tpu.sem_alloc : memref<!tpu.dma_semaphore, #tpu.memory_space<semaphore_mem>>
      %dma_start3A_229 = arith.constant 4960 : i32
      %dma_start3A_230 = tpu.memref_slice %arg7[%dma_start3A_229] : memref<5000xi32, #tpu.memory_space<vmem>> -> memref<40xi32, #tpu.memory_space<vmem>>
      %dma_start3A_231 = arith.constant 0 : i32
      %dma_start3A_232 = arith.constant 0 : i32
      %dma_start3A_233 = tpu.memref_slice %arg15[%dma_start3A_231, %dma_start3A_232] : memref<10000x128xf32, #tpu.memory_space<vmem_shared>> -> memref<10000x128xf32, #tpu.memory_space<vmem_shared>>
      tpu.enqueue_indirect_dma source(%arg12 : memref<40x128xf32, #tpu.memory_space<vmem>>) target(%dma_start3A_233 : memref<10000x128xf32, #tpu.memory_space<vmem_shared>>) offsets(%dma_start3A_230 : memref<40xi32, #tpu.memory_space<vmem>>) semaphore(%run_scoped3A_228 : memref<!tpu.dma_semaphore, #tpu.memory_space<semaphore_mem>>) {add = true}
      %dma_wait3A_234 = arith.constant 4960 : i32
      %dma_wait3A_235 = tpu.memref_slice %arg7[%dma_wait3A_234] : memref<5000xi32, #tpu.memory_space<vmem>> -> memref<40xi32, #tpu.memory_space<vmem>>
      %dma_wait3A_236 = arith.constant 0 : i32
      %dma_wait3A_237 = arith.constant 0 : i32
      %dma_wait3A_238 = tpu.memref_slice %arg15[%dma_wait3A_236, %dma_wait3A_237] : memref<10000x128xf32, #tpu.memory_space<vmem_shared>> -> memref<10000x128xf32, #tpu.memory_space<vmem_shared>>
      tpu.wait_indirect_dma semaphore(%run_scoped3A_228 : memref<!tpu.dma_semaphore, #tpu.memory_space<semaphore_mem>>) src(%arg12 : memref<40x128xf32, #tpu.memory_space<vmem>>) dst(%dma_wait3A_238 : memref<10000x128xf32, #tpu.memory_space<vmem_shared>>)
      tpu.yield
    }) : () -> ()
    %scan3A_209 = arith.constant 0 : i32
    %scan3A_210 = arith.constant 0 : i32
    %scan3A_211 = arith.constant 125 : i32
    %scan3A_212 = arith.addi %scan3A_210, %scan3A_211 : i32
    %scan3A_213 = arith.constant 1 : i32
    scf.for %scan3A_228 = %scan3A_210 to %scan3A_212 step %scan3A_213  : i32 {
      %mul3A_229 = arith.constant 40 : i32
      %mul3A_230 = arith.muli %scan3A_228, %mul3A_229 : i32
      %dma_wait3A_231 = tpu.memref_slice %arg7[%mul3A_230] : memref<5000xi32, #tpu.memory_space<vmem>> -> memref<40xi32, #tpu.memory_space<vmem>>
      %dma_wait3A_232 = arith.constant 0 : i32
      %dma_wait3A_233 = arith.constant 0 : i32
      %dma_wait3A_234 = tpu.memref_slice %arg16[%dma_wait3A_232, %dma_wait3A_233] : memref<10000x16xf32, #tpu.memory_space<vmem_shared>> -> memref<10000x16xf32, #tpu.memory_space<vmem_shared>>
      tpu.wait_indirect_dma semaphore(%arg22 : memref<!tpu.dma_semaphore, #tpu.memory_space<semaphore_mem>>) src(%arg13 : memref<40x16xf32, #tpu.memory_space<vmem>>) dst(%dma_wait3A_234 : memref<10000x16xf32, #tpu.memory_space<vmem_shared>>)
    }
    %scan3A_214 = arith.constant 125 : i32
    %barrier3A_215 = arith.constant 0 : index
    tpu.barrier barrier_id(%barrier3A_215)
    %scan3A_216 = arith.constant 0 : i32
    %scan3A_217 = arith.constant 0 : i32
    %scan3A_218 = arith.constant 16 : i32
    %scan3A_219 = arith.addi %scan3A_217, %scan3A_218 : i32
    %scan3A_220 = arith.constant 1 : i32
    scf.for %scan3A_228 = %scan3A_217 to %scan3A_219 step %scan3A_220  : i32 {
      %mul3A_229 = arith.constant 16 : i32
      %mul3A_230 = arith.muli %scan3A_228, %mul3A_229 : i32
      %add3A_231 = arith.addi %mul3A_230, %arg1 : i32
      %lt3A = arith.constant 250 : i32
      %lt3A_232 = arith.cmpi slt, %add3A_231, %lt3A : i32
      %convert_element_type3A = arith.extui %lt3A_232 : i1 to i32
      %cond3A = arith.constant 0 : i32
      %cond3A_233 = arith.cmpi ne, %convert_element_type3A, %cond3A : i32
      scf.if %cond3A_233 {
        %mul3A_234 = arith.constant 40 : i32
        %mul3A_235 = arith.muli %add3A_231, %mul3A_234 : i32
        "tpu.region"() ({
          %run_scoped3A_238 = tpu.sem_alloc : memref<!tpu.dma_semaphore, #tpu.memory_space<semaphore_mem>>
          %dma_start3A_239 = arith.constant 0 : i32
          %dma_start3A_240 = tpu.memref_slice %arg15[%mul3A_235, %dma_start3A_239] : memref<10000x128xf32, #tpu.memory_space<vmem_shared>> -> memref<40x128xf32, #tpu.memory_space<vmem_shared>>
          %dma_start3A_241 = arith.constant 0 : i32
          %dma_start3A_242 = tpu.memref_slice %arg15[%mul3A_235, %dma_start3A_241] : memref<10000x128xf32, #tpu.memory_space<vmem_shared>> -> memref<40x128xf32, #tpu.memory_space<vmem_shared>>
          tpu.enqueue_dma source(%dma_start3A_242 : memref<40x128xf32, #tpu.memory_space<vmem_shared>>) target(%arg8 : memref<40x128xf32, #tpu.memory_space<vmem>>) target_semaphore(%run_scoped3A_238 : memref<!tpu.dma_semaphore, #tpu.memory_space<semaphore_mem>>)
          %dma_wait3A_243 = arith.constant 0 : i32
          %dma_wait3A_244 = tpu.memref_slice %arg15[%mul3A_235, %dma_wait3A_243] : memref<10000x128xf32, #tpu.memory_space<vmem_shared>> -> memref<40x128xf32, #tpu.memory_space<vmem_shared>>
          %dma_wait3A_245 = arith.constant 0 : i32
          %dma_wait3A_246 = tpu.memref_slice %arg15[%mul3A_235, %dma_wait3A_245] : memref<10000x128xf32, #tpu.memory_space<vmem_shared>> -> memref<40x128xf32, #tpu.memory_space<vmem_shared>>
          tpu.wait_dma2 semaphore(%run_scoped3A_238 : memref<!tpu.dma_semaphore, #tpu.memory_space<semaphore_mem>>) src(%dma_wait3A_246 : memref<40x128xf32, #tpu.memory_space<vmem_shared>>) dst(%arg8 : memref<40x128xf32, #tpu.memory_space<vmem>>)
          tpu.yield
        }) : () -> ()
        %mul3A_236 = arith.constant 40 : i32
        %mul3A_237 = arith.muli %add3A_231, %mul3A_236 : i32
        "tpu.region"() ({
          %run_scoped3A_238 = tpu.sem_alloc : memref<!tpu.dma_semaphore, #tpu.memory_space<semaphore_mem>>
          %dma_start3A_239 = arith.constant 0 : i32
          %dma_start3A_240 = tpu.memref_slice %arg4[%arg0, %mul3A_237, %dma_start3A_239] : memref<2x10000x128xf32, #tpu.memory_space<hbm>> -> memref<1x40x128xf32, #tpu.memory_space<hbm>>
          %dma_start3A_241 = tpu.memref_squeeze %dma_start3A_240 : memref<1x40x128xf32, #tpu.memory_space<hbm>> -> memref<40x128xf32, #tpu.memory_space<hbm>>
          %dma_start3A_242 = arith.constant 0 : i32
          %dma_start3A_243 = tpu.memref_slice %arg4[%arg0, %mul3A_237, %dma_start3A_242] : memref<2x10000x128xf32, #tpu.memory_space<hbm>> -> memref<1x40x128xf32, #tpu.memory_space<hbm>>
          %dma_start3A_244 = tpu.memref_squeeze %dma_start3A_243 : memref<1x40x128xf32, #tpu.memory_space<hbm>> -> memref<40x128xf32, #tpu.memory_space<hbm>>
          tpu.enqueue_dma source(%arg8 : memref<40x128xf32, #tpu.memory_space<vmem>>) target(%dma_start3A_244 : memref<40x128xf32, #tpu.memory_space<hbm>>) target_semaphore(%run_scoped3A_238 : memref<!tpu.dma_semaphore, #tpu.memory_space<semaphore_mem>>)
          %dma_wait3A_245 = arith.constant 0 : i32
          %dma_wait3A_246 = tpu.memref_slice %arg4[%arg0, %mul3A_237, %dma_wait3A_245] : memref<2x10000x128xf32, #tpu.memory_space<hbm>> -> memref<1x40x128xf32, #tpu.memory_space<hbm>>
          %dma_wait3A_247 = tpu.memref_squeeze %dma_wait3A_246 : memref<1x40x128xf32, #tpu.memory_space<hbm>> -> memref<40x128xf32, #tpu.memory_space<hbm>>
          %dma_wait3A_248 = arith.constant 0 : i32
          %dma_wait3A_249 = tpu.memref_slice %arg4[%arg0, %mul3A_237, %dma_wait3A_248] : memref<2x10000x128xf32, #tpu.memory_space<hbm>> -> memref<1x40x128xf32, #tpu.memory_space<hbm>>
          %dma_wait3A_250 = tpu.memref_squeeze %dma_wait3A_249 : memref<1x40x128xf32, #tpu.memory_space<hbm>> -> memref<40x128xf32, #tpu.memory_space<hbm>>
          tpu.wait_dma2 semaphore(%run_scoped3A_238 : memref<!tpu.dma_semaphore, #tpu.memory_space<semaphore_mem>>) src(%arg8 : memref<40x128xf32, #tpu.memory_space<vmem>>) dst(%dma_wait3A_250 : memref<40x128xf32, #tpu.memory_space<hbm>>)
          tpu.yield
        }) : () -> ()
      } else {
      }
    }
    %scan3A_221 = arith.constant 16 : i32
    %scan3A_222 = arith.constant 0 : i32
    %scan3A_223 = arith.constant 0 : i32
    %scan3A_224 = arith.constant 7 : i32
    %scan3A_225 = arith.addi %scan3A_223, %scan3A_224 : i32
    %scan3A_226 = arith.constant 1 : i32
    scf.for %scan3A_228 = %scan3A_223 to %scan3A_225 step %scan3A_226  : i32 {
      %mul3A_229 = arith.constant 16 : i32
      %mul3A_230 = arith.muli %scan3A_228, %mul3A_229 : i32
      %add3A_231 = arith.addi %mul3A_230, %arg1 : i32
      %lt3A = arith.constant 100 : i32
      %lt3A_232 = arith.cmpi slt, %add3A_231, %lt3A : i32
      %convert_element_type3A = arith.extui %lt3A_232 : i1 to i32
      %cond3A = arith.constant 0 : i32
      %cond3A_233 = arith.cmpi ne, %convert_element_type3A, %cond3A : i32
      scf.if %cond3A_233 {
        %mul3A_234 = arith.constant 100 : i32
        %mul3A_235 = arith.muli %add3A_231, %mul3A_234 : i32
        "tpu.region"() ({
          %run_scoped3A_238 = tpu.sem_alloc : memref<!tpu.dma_semaphore, #tpu.memory_space<semaphore_mem>>
          %dma_start3A_239 = arith.constant 0 : i32
          %dma_start3A_240 = tpu.memref_slice %arg16[%mul3A_235, %dma_start3A_239] : memref<10000x16xf32, #tpu.memory_space<vmem_shared>> -> memref<100x16xf32, #tpu.memory_space<vmem_shared>>
          %dma_start3A_241 = arith.constant 0 : i32
          %dma_start3A_242 = tpu.memref_slice %arg16[%mul3A_235, %dma_start3A_241] : memref<10000x16xf32, #tpu.memory_space<vmem_shared>> -> memref<100x16xf32, #tpu.memory_space<vmem_shared>>
          tpu.enqueue_dma source(%dma_start3A_242 : memref<100x16xf32, #tpu.memory_space<vmem_shared>>) target(%arg14 : memref<100x16xf32, #tpu.memory_space<vmem>>) target_semaphore(%run_scoped3A_238 : memref<!tpu.dma_semaphore, #tpu.memory_space<semaphore_mem>>)
          %dma_wait3A_243 = arith.constant 0 : i32
          %dma_wait3A_244 = tpu.memref_slice %arg16[%mul3A_235, %dma_wait3A_243] : memref<10000x16xf32, #tpu.memory_space<vmem_shared>> -> memref<100x16xf32, #tpu.memory_space<vmem_shared>>
          %dma_wait3A_245 = arith.constant 0 : i32
          %dma_wait3A_246 = tpu.memref_slice %arg16[%mul3A_235, %dma_wait3A_245] : memref<10000x16xf32, #tpu.memory_space<vmem_shared>> -> memref<100x16xf32, #tpu.memory_space<vmem_shared>>
          tpu.wait_dma2 semaphore(%run_scoped3A_238 : memref<!tpu.dma_semaphore, #tpu.memory_space<semaphore_mem>>) src(%dma_wait3A_246 : memref<100x16xf32, #tpu.memory_space<vmem_shared>>) dst(%arg14 : memref<100x16xf32, #tpu.memory_space<vmem>>)
          tpu.yield
        }) : () -> ()
        %mul3A_236 = arith.constant 100 : i32
        %mul3A_237 = arith.muli %add3A_231, %mul3A_236 : i32
        "tpu.region"() ({
          %run_scoped3A_238 = tpu.sem_alloc : memref<!tpu.dma_semaphore, #tpu.memory_space<semaphore_mem>>
          %dma_start3A_239 = arith.constant 0 : i32
          %dma_start3A_240 = tpu.memref_slice %arg5[%arg0, %mul3A_237, %dma_start3A_239] : memref<2x10000x16xf32, #tpu.memory_space<hbm>> -> memref<1x100x16xf32, #tpu.memory_space<hbm>>
          %dma_start3A_241 = tpu.memref_squeeze %dma_start3A_240 : memref<1x100x16xf32, #tpu.memory_space<hbm>> -> memref<100x16xf32, #tpu.memory_space<hbm>>
          %dma_start3A_242 = arith.constant 0 : i32
          %dma_start3A_243 = tpu.memref_slice %arg5[%arg0, %mul3A_237, %dma_start3A_242] : memref<2x10000x16xf32, #tpu.memory_space<hbm>> -> memref<1x100x16xf32, #tpu.memory_space<hbm>>
          %dma_start3A_244 = tpu.memref_squeeze %dma_start3A_243 : memref<1x100x16xf32, #tpu.memory_space<hbm>> -> memref<100x16xf32, #tpu.memory_space<hbm>>
          tpu.enqueue_dma source(%arg14 : memref<100x16xf32, #tpu.memory_space<vmem>>) target(%dma_start3A_244 : memref<100x16xf32, #tpu.memory_space<hbm>>) target_semaphore(%run_scoped3A_238 : memref<!tpu.dma_semaphore, #tpu.memory_space<semaphore_mem>>)
          %dma_wait3A_245 = arith.constant 0 : i32
          %dma_wait3A_246 = tpu.memref_slice %arg5[%arg0, %mul3A_237, %dma_wait3A_245] : memref<2x10000x16xf32, #tpu.memory_space<hbm>> -> memref<1x100x16xf32, #tpu.memory_space<hbm>>
          %dma_wait3A_247 = tpu.memref_squeeze %dma_wait3A_246 : memref<1x100x16xf32, #tpu.memory_space<hbm>> -> memref<100x16xf32, #tpu.memory_space<hbm>>
          %dma_wait3A_248 = arith.constant 0 : i32
          %dma_wait3A_249 = tpu.memref_slice %arg5[%arg0, %mul3A_237, %dma_wait3A_248] : memref<2x10000x16xf32, #tpu.memory_space<hbm>> -> memref<1x100x16xf32, #tpu.memory_space<hbm>>
          %dma_wait3A_250 = tpu.memref_squeeze %dma_wait3A_249 : memref<1x100x16xf32, #tpu.memory_space<hbm>> -> memref<100x16xf32, #tpu.memory_space<hbm>>
          tpu.wait_dma2 semaphore(%run_scoped3A_238 : memref<!tpu.dma_semaphore, #tpu.memory_space<semaphore_mem>>) src(%arg14 : memref<100x16xf32, #tpu.memory_space<vmem>>) dst(%dma_wait3A_250 : memref<100x16xf32, #tpu.memory_space<hbm>>)
          tpu.yield
        }) : () -> ()
      } else {
      }
    }
    %scan3A_227 = arith.constant 7 : i32
    return
  }
}

module attributes {stable_mosaic.version = 14 : i64} {
  func.func @_head_body(%arg0: memref<2x10000x128xf32, #tpu.memory_space<vmem>>, %arg1: memref<2x10000x16xf32, #tpu.memory_space<vmem>>, %arg2: memref<128x128xf32, #tpu.memory_space<vmem>>, %arg3: memref<1x128xf32, #tpu.memory_space<vmem>>, %arg4: memref<128x128xf32, #tpu.memory_space<vmem>>, %arg5: memref<1x128xf32, #tpu.memory_space<vmem>>, %arg6: memref<128x128xf32, #tpu.memory_space<vmem>>, %arg7: memref<1x128xf32, #tpu.memory_space<vmem>>, %arg8: memref<10000x128xf32, #tpu.memory_space<vmem>>) attributes {dimension_semantics = [], scalar_prefetch = 0 : i64, scratch_operands = 0 : i64, tpu.core_type = #tpu.core_type<tc>} {
    %get3A = arith.constant 0 : index
    %get3A_0 = arith.constant 0 : index
    %get3A_1 = arith.constant 0 : index
    %get3A_2 = vector.load %arg0[%get3A, %get3A_0, %get3A_1] : memref<2x10000x128xf32, #tpu.memory_space<vmem>>, vector<1x10000x128xf32>
    %get3A_3 = vector.shape_cast %get3A_2 : vector<1x10000x128xf32> to vector<10000x128xf32>
    %get3A_4 = arith.constant 1 : index
    %get3A_5 = arith.constant 0 : index
    %get3A_6 = arith.constant 0 : index
    %get3A_7 = vector.load %arg0[%get3A_4, %get3A_5, %get3A_6] : memref<2x10000x128xf32, #tpu.memory_space<vmem>>, vector<1x10000x128xf32>
    %get3A_8 = vector.shape_cast %get3A_7 : vector<1x10000x128xf32> to vector<10000x128xf32>
    %add3A = arith.addf %get3A_3, %get3A_8 : vector<10000x128xf32>
    %get3A_9 = arith.constant 0 : index
    %get3A_10 = arith.constant 0 : index
    %get3A_11 = arith.constant 0 : index
    %get3A_12 = vector.load %arg1[%get3A_9, %get3A_10, %get3A_11] : memref<2x10000x16xf32, #tpu.memory_space<vmem>>, vector<1x10000x1xf32>
    %get3A_13 = vector.shape_cast %get3A_12 : vector<1x10000x1xf32> to vector<10000x1xf32>
    %get3A_14 = arith.constant 1 : index
    %get3A_15 = arith.constant 0 : index
    %get3A_16 = arith.constant 0 : index
    %get3A_17 = vector.load %arg1[%get3A_14, %get3A_15, %get3A_16] : memref<2x10000x16xf32, #tpu.memory_space<vmem>>, vector<1x10000x1xf32>
    %get3A_18 = vector.shape_cast %get3A_17 : vector<1x10000x1xf32> to vector<10000x1xf32>
    %add3A_19 = arith.addf %get3A_13, %get3A_18 : vector<10000x1xf32>
    %max3A = arith.constant 1.000000e+00 : f32
    %max3A_20 = vector.broadcast %max3A : f32 to vector<10000x1xf32>
    %max3A_21 = arith.maximumf %add3A_19, %max3A_20 : vector<10000x1xf32>
    %div3A = arith.constant 1.000000e+00 : f32
    %div3A_22 = vector.broadcast %div3A : f32 to vector<10000x1xf32>
    %div3A_23 = arith.divf %div3A_22, %max3A_21 : vector<10000x1xf32>
    %mul3A = vector.broadcast %div3A_23 : vector<10000x1xf32> to vector<10000x128xf32>
    %mul3A_24 = arith.mulf %add3A, %mul3A : vector<10000x128xf32>
    %get3A_25 = arith.constant 0 : index
    %get3A_26 = arith.constant 0 : index
    %get3A_27 = vector.load %arg2[%get3A_25, %get3A_26] : memref<128x128xf32, #tpu.memory_space<vmem>>, vector<128x128xf32>
    %dot_general3A = arith.constant dense<0.000000e+00> : vector<10000x128xf32>
    %dot_general3A_28 = tpu.matmul %mul3A_24, %get3A_27, %dot_general3A {dimension_numbers = #tpu.dot_dimension_numbers<[1], [0], [0], [1], [0, 0, 1, 1], [], []>, transpose_lhs_hint = false} : vector<10000x128xf32>, vector<128x128xf32>, vector<10000x128xf32> -> vector<10000x128xf32>
    %get3A_29 = arith.constant 0 : index
    %get3A_30 = arith.constant 0 : index
    %get3A_31 = vector.load %arg3[%get3A_29, %get3A_30] : memref<1x128xf32, #tpu.memory_space<vmem>>, vector<1x128xf32>
    %add3A_32 = vector.broadcast %get3A_31 : vector<1x128xf32> to vector<10000x128xf32>
    %add3A_33 = arith.addf %dot_general3A_28, %add3A_32 : vector<10000x128xf32>
    %max3A_34 = arith.constant 0.000000e+00 : f32
    %max3A_35 = vector.broadcast %max3A_34 : f32 to vector<10000x128xf32>
    %max3A_36 = arith.maximumf %add3A_33, %max3A_35 : vector<10000x128xf32>
    %get3A_37 = arith.constant 0 : index
    %get3A_38 = arith.constant 0 : index
    %get3A_39 = vector.load %arg4[%get3A_37, %get3A_38] : memref<128x128xf32, #tpu.memory_space<vmem>>, vector<128x128xf32>
    %dot_general3A_40 = arith.constant dense<0.000000e+00> : vector<10000x128xf32>
    %dot_general3A_41 = tpu.matmul %max3A_36, %get3A_39, %dot_general3A_40 {dimension_numbers = #tpu.dot_dimension_numbers<[1], [0], [0], [1], [0, 0, 1, 1], [], []>, transpose_lhs_hint = false} : vector<10000x128xf32>, vector<128x128xf32>, vector<10000x128xf32> -> vector<10000x128xf32>
    %get3A_42 = arith.constant 0 : index
    %get3A_43 = arith.constant 0 : index
    %get3A_44 = vector.load %arg5[%get3A_42, %get3A_43] : memref<1x128xf32, #tpu.memory_space<vmem>>, vector<1x128xf32>
    %add3A_45 = vector.broadcast %get3A_44 : vector<1x128xf32> to vector<10000x128xf32>
    %add3A_46 = arith.addf %dot_general3A_41, %add3A_45 : vector<10000x128xf32>
    %max3A_47 = arith.constant 0.000000e+00 : f32
    %max3A_48 = vector.broadcast %max3A_47 : f32 to vector<10000x128xf32>
    %max3A_49 = arith.maximumf %add3A_46, %max3A_48 : vector<10000x128xf32>
    %get3A_50 = arith.constant 0 : index
    %get3A_51 = arith.constant 0 : index
    %get3A_52 = vector.load %arg6[%get3A_50, %get3A_51] : memref<128x128xf32, #tpu.memory_space<vmem>>, vector<128x128xf32>
    %dot_general3A_53 = arith.constant dense<0.000000e+00> : vector<10000x128xf32>
    %dot_general3A_54 = tpu.matmul %max3A_49, %get3A_52, %dot_general3A_53 {dimension_numbers = #tpu.dot_dimension_numbers<[1], [0], [0], [1], [0, 0, 1, 1], [], []>, transpose_lhs_hint = false} : vector<10000x128xf32>, vector<128x128xf32>, vector<10000x128xf32> -> vector<10000x128xf32>
    %get3A_55 = arith.constant 0 : index
    %get3A_56 = arith.constant 0 : index
    %get3A_57 = vector.load %arg7[%get3A_55, %get3A_56] : memref<1x128xf32, #tpu.memory_space<vmem>>, vector<1x128xf32>
    %add3A_58 = vector.broadcast %get3A_57 : vector<1x128xf32> to vector<10000x128xf32>
    %add3A_59 = arith.addf %dot_general3A_54, %add3A_58 : vector<10000x128xf32>
    %swap3A = arith.constant 0 : index
    %swap3A_60 = arith.constant 0 : index
    %swap3A_61 = vector.load %arg8[%swap3A, %swap3A_60] : memref<10000x128xf32, #tpu.memory_space<vmem>>, vector<10000x128xf32>
    tpu.vector_store %arg8[%swap3A, %swap3A_60], %add3A_59 {strides = array<i32>} : memref<10000x128xf32, #tpu.memory_space<vmem>>, vector<10000x128xf32>,
    return
  }
}

</mosaic_0001>

<sc_bundles>
// kernel: kernel.4.cloned.1.call-start
scs
__scs_entry_jumppad:
0x0: {  	(pc) =	sbr.rel $0x88, $3  }
0x1: {  	(tag) =	ssettag $0x0;
	lr =	simm.s32 $0x1  }
0x2: {  	[smem:$0x3F99] =	sst lr;
	_ =	strace $0xD0000000  }
0x3: {  	_ = 	snop  }
0x4: {  	_ = 	snop  }
0x5: {  	_ = 	snop  }
0x6: {  	_ = 	snop  }
0x7: {  	_ = 	snop  }
__scs_overlays_trampoline_lowered:
0x8: {  	[smem:$0x3FA8] =	sst s0  }
0x9: {  	[smem:$0x3FA9] =	sst s1  }
0xa: {  	[smem:$0x3FAA] =	sst s2  }
0xb: {  	[smem:$0x3FAB] =	sst s3  }
0xc: {  	[smem:$0x3FAC] =	sst s4  }
0xd: {  	[smem:$0x3FAD] =	sst s5  }
0xe: {  	[smem:$0x3FAE] =	sst s6  }
0xf: {  	[smem:$0x3FAF] =	sst s7  }
0x10: {  	[smem:$0x3FB0] =	sst s8  }
0x11: {  	[smem:$0x3FB1] =	sst s9;
	s0 =	simm.s32 @!p0 $0x0  }
0x12: {  	s1 =	sld [smem:$0x3F97];
	s0 =	simm.s32 @p0 $0x1  }
0x13: {  	[smem:$0x3FB2] =	sst s0;
	s0 =	simm.s32 @!p1 $0x0  }
0x14: {  	s2 =	sld [smem:$0x3F96];
	s0 =	simm.s32 @p1 $0x1  }
0x15: {  	[smem:$0x3FB3] =	sst s0;
	s0 =	simm.s32 @!p2 $0x0  }
0x16: {  	s3 =	sld [smem:$0x3FDB];
	s0 =	simm.s32 @p2 $0x1  }
0x17: {  	s4 =	simm.s32 $0x1BF5;
	[smem:$0x3FB5] =	sst s0  }
0x18: {  	s0 =	sld [smem:$0x3F98];
	_ =	swait.ge [sflag:s4], $0x0  }
0x19: {  	s7 =	sld [smem:$0x3F99]  }
0x1a: {  	s8 =	sadd.s32 $0xFFFFE003, lr  }
0x1b: {  	s9 =	sadd.s32 $0xFFFFFEF7, lr;
	s5 =	simm.s32 $0xFFFFFFFF;
	p2 =	slt.u32 s8, $0xFFFFF086  }
0x1c: {  	p1 =	slt.u32 s9, $0xF7A;
	s5 =	simm.s32 @!p2 $0x0  }
0x1d: {  	s5 =	simm.s32 @p1 $0x1;
	p0 =	seq.s32 s7, s2  }
0x1e: {  	s7 =	smul.u32 @!p0 $0xF7A, s2;
	p2 =	seq.s32 @!p0 s5, $0x0  }
0x1f: {  	s9 =	smul.u32 $0xF7A, s1;
	s8 =	simm.s32 @!p0 $0x1BF5;
	p2 =	por !p2, p0  }
0x20: {  	[sflag:s8] =	ssyncset.s32 @!p0 $0xFFFFF086;
	s6 =	sadd.s32 @!p0 s3, s7;
	s7 =	simm.s32 @!p0 $0x108  }
0x21: {  	s3 =	sadd.s32 s3, s9;
	s6 =	sadd.s32 @!p0 $0x88, s6;
	s7 =	simm.s32 @p2 $0x1082  }
0x22: {  	[simem:s7], [sflag:s8] =	dma.local @!p0 [hbm:s6], $0xF7A  }
0x23: {  	s9 =	sor.u32 $0xD0000000, s2;
	s6 =	simm.s32 $0x108;
	_ =	swait.ge @!p0 [sflag:s8], $0x0  }
0x24: {  	s3 =	sadd.s32 $0x88, s3;
	s6 =	simm.s32 @!p1 $0x1082;
	[sflag:s4] =	ssyncset.s32 $0xFFFFF086  }
0x25: {  	[simem:s6], [sflag:s4] =	dma.local [hbm:s3], $0xF7A  }
0x26: {  	[smem:$0x3F99] =	sst s1;
	(tag) =	ssettag s2;
	_ =	strace s9  }
0x27: {  	s1 =	sld [smem:$0x3FA9]  }
0x28: {  	s2 =	sld [smem:$0x3FAA]  }
0x29: {  	s4 =	sld [smem:$0x3FAC]  }
0x2a: {  	p0 =	seq.s32 s5, $0x0;
	s5 =	sld [smem:$0x3FAD]  }
0x2b: {  	s6 =	sld [smem:$0x3FAE]  }
0x2c: {  	s7 =	sld [smem:$0x3FAF]  }
0x2d: {  	s3 =	simm.s32 $0x108;
	s8 =	sld [smem:$0x3FB0]  }
0x2e: {  	s3 =	simm.s32 @!p0 $0x1082;
	s9 =	sld [smem:$0x3FB1]  }
0x2f: {  	lr =	sadd.s32 s0, s3;
	s0 =	sld [smem:$0x3FA8]  }
0x30: {  	s3 =	sld [smem:$0x3FAB]  }
0x31: {  	[smem:$0x3FB4] =	sst s10  }
0x32: {  	s10 =	sld [smem:$0x3FB2];
	_ =	sdelay $0x3  }
0x33: {  	p0 =	seq.s32 s10, $0x1;
	s10 =	sld [smem:$0x3FB4];
	_ =	sdelay $0x3  }
0x34: {  	[smem:$0x3FB4] =	sst s10  }
0x35: {  	s10 =	sld [smem:$0x3FB3];
	_ =	sdelay $0x3  }
0x36: {  	p1 =	seq.s32 s10, $0x1;
	s10 =	sld [smem:$0x3FB4];
	_ =	sdelay $0x3  }
0x37: {  	[smem:$0x3FB4] =	sst s10  }
0x38: {  	s10 =	sld [smem:$0x3FB5]  }
0x39: {  	_ = 	snop;
	(pc) =	sbr.ind lr, $3  }
0x3a: {  	_ = 	snop  }
0x3b: {  	_ = 	snop  }
0x3c: {  	p2 =	seq.s32 s10, $0x1;
	s10 =	sld [smem:$0x3FB4]  }
0x3d: {  	_ =	shalt  }
0x3e: {  	_ =	shalt  }
0x3f: {  	_ =	shalt  }
0x40: {  	_ =	shalt  }
0x41: {  	_ =	shalt  }
0x42: {  	_ =	shalt  }
0x43: {  	_ =	shalt  }
0x44: {  	_ =	shalt  }
0x45: {  	_ =	shalt  }
0x46: {  	_ =	shalt  }
0x47: {  	_ =	shalt  }
0x48: {  	_ =	shalt  }
0x49: {  	_ =	shalt  }
0x4a: {  	_ =	shalt  }
0x4b: {  	_ =	shalt  }
0x4c: {  	_ =	shalt  }
0x4d: {  	_ =	shalt  }
0x4e: {  	_ =	shalt  }
0x4f: {  	_ =	shalt  }
0x50: {  	_ =	shalt  }
0x51: {  	_ =	shalt  }
0x52: {  	_ =	shalt  }
0x53: {  	_ =	shalt  }
0x54: {  	_ =	shalt  }
0x55: {  	_ =	shalt  }
0x56: {  	_ =	shalt  }
0x57: {  	_ =	shalt  }
0x58: {  	_ =	shalt  }
0x59: {  	_ =	shalt  }
0x5a: {  	_ =	shalt  }
0x5b: {  	_ =	shalt  }
0x5c: {  	_ =	shalt  }
0x5d: {  	_ =	shalt  }
0x5e: {  	_ =	shalt  }
0x5f: {  	_ =	shalt  }
0x60: {  	_ =	shalt  }
0x61: {  	_ =	shalt  }
0x62: {  	_ =	shalt  }
0x63: {  	_ =	shalt  }
0x64: {  	_ =	shalt  }
0x65: {  	_ =	shalt  }
0x66: {  	_ =	shalt  }
0x67: {  	_ =	shalt  }
0x68: {  	_ =	shalt  }
0x69: {  	_ =	shalt  }
0x6a: {  	_ =	shalt  }
0x6b: {  	_ =	shalt  }
0x6c: {  	_ =	shalt  }
0x6d: {  	_ =	shalt  }
0x6e: {  	_ =	shalt  }
0x6f: {  	_ =	shalt  }
0x70: {  	_ =	shalt  }
0x71: {  	_ =	shalt  }
0x72: {  	_ =	shalt  }
0x73: {  	_ =	shalt  }
0x74: {  	_ =	shalt  }
0x75: {  	_ =	shalt  }
0x76: {  	_ =	shalt  }
0x77: {  	_ =	shalt  }
0x78: {  	_ =	shalt  }
0x79: {  	_ =	shalt  }
0x7a: {  	_ =	shalt  }
0x7b: {  	_ =	shalt  }
0x7c: {  	_ =	shalt  }
0x7d: {  	_ =	shalt  }
0x7e: {  	_ =	shalt  }
0x7f: {  	_ =	shalt  }
0x80: {  	_ =	shalt  }
0x81: {  	_ =	shalt  }
0x82: {  	_ =	shalt  }
0x83: {  	_ =	shalt  }
0x84: {  	_ =	shalt  }
0x85: {  	_ =	shalt  }
0x86: {  	_ =	shalt  }
0x87: {  	_ =	shalt  }
.Lfunc_end0:
.L_simem_size_0:
called_computation_lowered:
.L_overlay_start_0:
0x88: {  	s2 =	sld [smem:$0x3FD9]  }
0x89: {  	s3 =	sld [smem:$0x3FFE];
	_ =	sdelay $0x1  }
0x8a: {  	s1 =	srdreg.scid  }
0x8b: {  	s0 =	sand.u32 $0x1, s1  }
0x8c: {  	s17 =	sshll.u32 s0, $0xA;
	s2 =	sadd.s32 s3, s2  }
0x8d: {  	s2 =	sadd.s32 s2, s17  }
0x8e: {  	[smem:$0x3FC0] =	sst s2  }
0x8f: {  	_ = 	snop  }
0x90: {  	s2 =	sld [smem:$0x3FC9]  }
0x91: {  	s18 =	sld [smem:$0x3FD0];
	(tm) =	ssettm $0x1  }
0x92: {  	s4 =	sld [smem:$0x3FFB];
	_ =	sdelay $0x3  }
0x93: {  	_ =	strace s4  }
0x94: {  	s4 =	sld [smem:$0x3FFC];
	_ =	sdelay $0x3  }
0x95: {  	_ =	strace s4  }
0x96: {  	s4 =	sld [smem:$0x3FFD];
	_ =	sdelay $0x3  }
0x97: {  	_ =	strace s4  }
0x98: {  	_ =	strace $0x8FFFFFFF  }
0x99: {  	s19 =	sld [smem:$0x3FDB];
	_ =	sdelay $0x1  }
0x9a: {  	s5 =	simm.s32 $_scs_section_size  }
0x9b: {  	s6 =	simm.s32 $_size__tile_overlayer_lowered;
	s7 =	simm.s32 $_tile_overlayer_lowered  }
0x9c: {  	s22 =	simm.s32 $0x1BFF;
	s21 =	sshll.u32 s7, $0x1;
	s4 =	sadd.s32 s5, s19  }
0x9d: {  	s8 =	simm.s32 $0x0;
	s20 =	sshll.u32 s6, $0x1;
	s6 =	sadd.s32 s21, s4  }
0x9e: {  	[timem:s8], [sflag:s22] =	dma.local [hbm:s6], s20  }
0x9f: {  	_ =	swait.ge [sflag:s22], s20  }
0xa0: {  	s5 =	ssub.s32 $0x0, s20;
	[sflag:s22] =	ssyncset.done $0x0  }
0xa1: {  	[sflag:s22] =	ssyncadd.s32 s5;
	_ =	sdelay $0x1  }
0xa2: {  	s23 =	simm.s32 $0x1B8B  }
0xa3: {  	_ =	swait.ge [sflag:s23], $0x1  }
0xa4: {  	[sflag:s23] =	ssyncset.done $0x0  }
0xa5: {  	s25 =	simm.s32 $0x1B8E;
	s24 =	sld [smem:$0x3FFE];
	[sflag:s23] =	ssyncadd.s32 $0xFFFFFFFF  }
0xa6: {  	s26 =	simm.s32 $execute0_lowered;
	[smem:$0x3FD2] =	sst s25  }
0xa7: {  	s6 =	sshll.u32 s26, $0x1;
	_ =	strace $0x80000046;
	[dreg:$0x1] =	wrdreg $0xFFFFFFFF  }
0xa8: {  	s28 =	simm.s32 $_size_execute0_lowered;
	s4 =	sadd.s32 s4, s6;
	[dreg:$0x0] =	wrdreg $0x0  }
0xa9: {  	s6 =	sshll.u32 s28, $0x1;
	[dreg:$0x2] =	wrdreg s4  }
0xaa: {  	[dreg:$0x3] =	wrdreg s6  }
0xab: {  	[dreg:$0x4] =	wrdreg $0xC0  }
0xac: {  	_ =	task [dreg:s8], $0x5FFFF  }
0xad: {  	[dreg:$0x1] =	wrdreg $0xFFFFFFFF  }
0xae: {  	[dreg:$0x0] =	wrdreg $0x60  }
0xaf: {  	[dreg:$0x2] =	wrdreg s2  }
0xb0: {  	[dreg:$0x3] =	wrdreg s18  }
0xb1: {  	[dreg:$0x4] =	wrdreg s24  }
0xb2: {  	[dreg:$0x5] =	wrdreg $0x93D00  }
0xb3: {  	[dreg:$0x6] =	wrdreg $0x1CC500  }
0xb4: {  	[dreg:$0x7] =	wrdreg $0x9  }
0xb5: {  	_ =	task.clear_ibuf [dreg:s8], $0x8FFFF;
	_ =	strace $0x90000046  }
0xb6: {  	s29 =	simm.s32 $0x9;
	_ =	strace $0x80000048  }
0xb7: {  	_ =	swait.ge [sflag:s29], $0x1  }
0xb8: {  	[sflag:s29] =	ssyncadd.s32 $0xFFFFFFFF  }
0xb9: {  	_ =	strace $0x90000048  }
0xba: {  	_ =	sfence  }
0xbb: {  	s30 =	sld [smem:$0x0];
	_ =	sdelay $0x2  }
0xbc: {  	s31 =	sshll.u32 s1, $0xD;
	s1 =	sshrl.u32 s1, $0x2  }
0xbd: {  	s3 =	sand.u32 $0x4000, s31;
	s1 =	sadd.s32 s1, s30  }
0xbe: {  	s0 =	sor.u32 s3, s0;
	s1 =	sshll.u32 s1, $0x11  }
0xbf: {  	s0 =	sor.u32 s1, s0  }
0xc0: {  	s0 =	sadd.s32 $0x8F2B, s0  }
0xc1: {  	[sflag:s0] =	ssyncadd.remote.s32 $0x1  }
0xc2: {  	_ =	sfence.sel $0xFFFF  }
0xc3: {  	[dreg:$0x0] =	wrdreg $0xFFFFFFFF;
	(pc) =	sbr.abs _section_cstart, $3  }
0xc4: {  	[dreg:$0x1] =	wrdreg $0xFFFFFFFF  }
0xc5: {  	_ =	task.clear_ibuf [dreg:s8], $0x2FFFF;
	_ =	strace $0x9FFFFFFF  }
0xc6: {  	(tm) =	ssettm $0x7FFFFFFF  }
0xc7: {  	_ =	shalt  }
tec
execute0_lowered:
.L_overlay_start_1:
0x0: {  	(tag) =	ssettag $0x1  }
0x1: {  	s0 =	srdreg.scid;
	s4 =	rddreg [dreg:$0x1]  }
0x2: {  	s6 =	rddreg [dreg:$0x2];
	s3 =	sand.u32 $0x1, s0  }
0x3: {  	s28 =	simm.s32 $0x3;
	s0 =	stileid.u32;
	s2 =	smul.u32 $0x138800, s3  }
0x4: {  	s29 =	simm.s32 $0x4;
	s5 =	smul.u32 $0x1400, s0;
	s1 =	sshll.u32 s3, $0x4  }
0x5: {  	s23 =	ssub.s32 $0x2, s3;
	s3 =	smul.u32 $0x27100, s3;
	s25 =	sor.u32 $0x10, s0  }
0x6: {  	s30 =	simm.s32 $0x5;
	s26 =	sor.u32 $0x20, s0;
	s11 =	smul.u32 $0x1900, s25  }
0x7: {  	s31 =	sor.u32 $0x30, s0;
	s12 =	sor.u32 $0x40, s0;
	s16 =	smul.u32 $0x640, s26  }
0x8: {  	s15 =	sor.u32 $0x50, s0;
	s18 =	sor.u32 $0x60, s0;
	s17 =	smul.u32 $0x640, s31  }
0x9: {  	s7 =	sor.u32 s0, s1;
	s1 =	simm.s32 $0x0;
	s19 =	smul.u32 $0x640, s12  }
0xa: {  	s8 =	sshrl.u32 s23, $0x1;
	s31 =	smul.u32 $0x1900, s31;
	p0 =	sgt.u32 s18, $0x63  }
0xb: {  	s2 =	sadd.s32 s5, s2;
	s22 =	smul.u32 $0x2710, s7;
	[smem:$0x7FF] =	sst s1  }
0xc: {  	s7 =	ssub.s32 s23, s8;
	s2 =	sshrl.u32 s2, $0x3;
	s14 =	sadd.s32 s3, s16  }
0xd: {  	s9 =	sshrl.u32 s22, $0x3;
	s24 =	sadd.s32 $0x1388, s22;
	s5 =	sadd.s32 $0x4F588, s22  }
0xe: {  	s23 =	sadd.s32 s4, s9;
	s8 =	sshrl.u32 s24, $0x3;
	s5 =	sshrl.u32 s5, $0x3  }
0xf: {  	s8 =	sadd.s32 s4, s8;
	s4 =	sadd.s32 s4, s5;
	s5 =	smul.u32 $0x640, s25  }
0x10: {  	s20 =	sadd.s32 s3, s17;
	[dreg:$0x7] =	wrdreg s8;
	s8 =	smul.u32 $0x640, s0  }
0x11: {  	s7 =	smax.u32 s7, $0x1;
	s2 =	sadd.s32 s2, s6;
	s13 =	sadd.s32 s3, s5  }
0x12: {  	s6 =	sadd.s32 $0x1600, s6;
	s10 =	sadd.s32 s3, s8;
	s13 =	sshrl.u32 s13, $0x3  }
0x13: {  	[dreg:$0x8] =	wrdreg s4;
	s10 =	sshrl.u32 s10, $0x3;
	s13 =	sadd.s32 s6, s13  }
0x14: {  	s22 =	sadd.s32 s3, s19;
	s10 =	sadd.s32 s6, s10;
	[dreg:$0xa] =	wrdreg s13  }
0x15: {  	s9 =	smul.u32 $0x1900, s12;
	s13 =	sshrl.u32 s20, $0x3;
	[dreg:$0x9] =	wrdreg s10  }
0x16: {  	s10 =	sshrl.u32 s14, $0x3;
	s21 =	sadd.s32 s6, s13;
	s14 =	rddreg [dreg:$0x4]  }
0x17: {  	s20 =	smul.u32 $0x640, s15;
	s10 =	sadd.s32 s6, s10;
	[dreg:$0xc] =	wrdreg s21  }
0x18: {  	s12 =	sshrl.u32 s11, $0x2;
	[dreg:$0xb] =	wrdreg s10;
	s10 =	sshrl.u32 s22, $0x3  }
0x19: {  	s24 =	sadd.s32 s3, s20;
	s21 =	smul.u32 $0x640, s18;
	s10 =	sadd.s32 s6, s10  }
0x1a: {  	s13 =	sshrl.u32 s24, $0x3;
	s22 =	smul.u32 $0x1900, s0;
	[dreg:$0xd] =	wrdreg s10  }
0x1b: {  	s13 =	sadd.s32 s6, s13;
	s3 =	sadd.s32 s3, s21;
	s10 =	rddreg [dreg:$0x0]  }
0x1c: {  	s25 =	smul.u32 $0x1900, s26;
	[dreg:$0xe] =	wrdreg s13;
	s3 =	sshrl.u32 s3, $0x3  }
0x1d: {  	s13 =	rddreg [dreg:$0x3];
	s26 =	sshrl.u32 s22, $0x2;
	s3 =	sadd.s32 s6, s3  }
0x1e: {  	s15 =	smul.u32 $0x1900, s15;
	s4 =	sadd.s32 s26, s14;
	[dreg:$0xf] =	wrdreg s3  }
0x1f: {  	s6 =	sshrl.u32 s31, $0x2;
	_ =	strace $0x80000047;
	[dreg:$0x10] =	wrdreg s7  }
0x20: {  	s11 =	sadd.s32 s8, s14;
	s24 =	sadd.s32 s6, s14;
	[dreg:$0x11] =	wrdreg s4  }
0x21: {  	s8 =	simm.s32 $0x2710;
	s22 =	smul.u32 $0x1900, s18;
	[dreg:$0x14] =	wrdreg s24  }
0x22: {  	s18 =	sadd.s32 s16, s14;
	s26 =	sshrl.u32 s15, $0x2;
	[dreg:$0x18] =	wrdreg s11  }
0x23: {  	s31 =	sshrl.u32 s22, $0x2;
	s22 =	sadd.s32 s17, s14;
	[dreg:$0x1a] =	wrdreg s18  }
0x24: {  	s15 =	smul.u32 $0x5000, s0;
	s3 =	sshrl.u32 s25, $0x2;
	[dreg:$0x1b] =	wrdreg s22  }
0x25: {  	s25 =	sshrl.u32 s9, $0x2;
	s7 =	sadd.s32 s12, s14;
	[dreg:$0x6] =	wrdreg s23  }
0x26: {  	s6 =	simm.s32 $0x7;
	s3 =	sadd.s32 s3, s14;
	[dreg:$0x12] =	wrdreg s7  }
0x27: {  	s17 =	simm.s32 $0x4F10;
	s9 =	sadd.s32 s31, s14;
	[dreg:$0x13] =	wrdreg s3  }
0x28: {  	s12 =	sadd.s32 s5, s14;
	s24 =	sadd.s32 s19, s14;
	[dreg:$0x17] =	wrdreg s9  }
0x29: {  	s31 =	sadd.s32 $0x9C40, s23;
	s5 =	simm.s32 $0x8D90;
	[dreg:$0x19] =	wrdreg s12  }
0x2a: {  	s19 =	simm.s32 $0x1388;
	s11 =	simm.s32 $0x3B10;
	[dreg:$0x1c] =	wrdreg s24  }
0x2b: {  	s23 =	simm.s32 $0x7710;
	s3 =	sadd.s32 s25, s14;
	[dreg:$0x1f] =	wrdreg s31  }
0x2c: {  	s4 =	simm.s32 $0x6;
	s7 =	sadd.s32 s26, s14;
	[dreg:$0x15] =	wrdreg s3  }
0x2d: {  	s22 =	simm.s32 $0x0;
	s25 =	sadd.s32 s20, s14;
	[dreg:$0x16] =	wrdreg s7  }
0x2e: {  	s26 =	sadd.s32 s21, s14;
	s9 =	simm.s32 $0x8B10;
	[dreg:$0x1d] =	wrdreg s25  }
0x2f: {  	s20 =	simm.s32 $0x6310;
	s21 =	simm.s32 $0x8;
	[dreg:$0x1e] =	wrdreg s26  }
0x30: {  	s3 =	sshrl.u32 s15, $0x2;
	s7 =	simm.s32 $0x28;
	s25 =	simm.s32 $0x1  }
0x31: {  	v0 =	vimm.f32 $0.0e+00;
	v1 =	vimm.f32 $1.000000000e+00;
	s26 =	simm.s32 $0x2;
	s12 =	sadd.s32 s3, s13;
	s3 =	sadd.s32 $0xB400, s2  }
.LBB2_1:
0x32: {  	s15 =	simm.s32 $0x2750  }
0x33: {  	[tilespmem:s15+$0xFFFFFFD0] =	vst v0  }
0x34: {  	[tilespmem:s15+$0xFFFFFFE0] =	vst v0  }
0x35: {  	[tilespmem:s15+$0xFFFFFFF0] =	vst v0  }
0x36: {  	[tilespmem:s15+$0x0] =	vst v0  }
0x37: {  	[tilespmem:s15+$0x10] =	vst v0  }
0x38: {  	[tilespmem:s15+$0x20] =	vst v0  }
0x39: {  	[tilespmem:s15+$0x30] =	vst v0  }
0x3a: {  	s24 =	simm.s32 $0x0;
	s16 =	simm.s32 $0x40;
	[tilespmem:s15+$0xFFFFFFC0] =	vst v0  }
.LBB2_2:
0x3b: {  	p1 =	sne.s32 s16, $0x9C0;
	[tilespmem:s24+$0x8B10] =	vst v1;
	s15 =	sadd.s32 $0x80, s15  }
0x3c: {  	[tilespmem:s15+$0xFFFFFFD0] =	vst v0  }
0x3d: {  	[tilespmem:s15+$0xFFFFFFE0] =	vst v0  }
0x3e: {  	[tilespmem:s15+$0xFFFFFFF0] =	vst v0  }
.Ltmp0:
0x3f: {  	[tilespmem:s15+$0x0] =	vst v0;
	(pc) =	sbr.rel @p1 .LBB2_2-.Ltmp0, $4  }
0x40: {  	[tilespmem:s15+$0x10] =	vst v0  }
0x41: {  	[tilespmem:s15+$0x20] =	vst v0  }
0x42: {  	[tilespmem:s15+$0x30] =	vst v0  }
0x43: {  	s24 =	sshra.s32 s16, $0x2;
	s16 =	sadd.s32 $0x40, s16;
	[tilespmem:s15+$0xFFFFFFC0] =	vst v0  }
0x44: {  	[tilespmem:s24+$0x8B10] =	vst v1;
	s15 =	simm.s32 $0x40;
	s16 =	simm.s32 $0x0  }
.LBB2_4:
0x45: {  	p1 =	sne.s32 s15, $0x18C0;
	[tilespmem:s16+$0x8D90] =	vst v0;
	s16 =	smov.u32 s15;
	s15 =	sadd.s32 $0x40, s15  }
.Ltmp1:
0x46: {  	(pc) =	sbr.rel @p1 .LBB2_4-.Ltmp1, $2  }
0x47: {  	_ =	sdelay $0x2  }
0x48: {  	s16 =	sshra.s32 s16, $0x2  }
0x49: {  	s15 =	sadd.s32 $0x0, s0  }
0x4a: {  	p1 =	sgt.u32 s15, $0xF9  }
0x4b: {  	[tilespmem:s16+$0x8D90] =	vst v0;
	s15 =	simm.s32 @!p1 $0x2710;
	s31 =	simm.s32 @!p1 $0x7  }
0x4c: {  	[spmem:s12] =	stream.linear.scatter @!p1 [tilespmem:s15], [sflag:$0x7], $0x1400, $0x38;
	[tilespmem:$0x1F360] =	vst v63  }
0x4d: {  	s16 =	simm.s32 $0x10;
	_ =	swait.ge @!p1 [sflag:s31], $0x1400  }
0x4e: {  	s24 =	simm.s32 $0x20;
	s15 =	sadd.s32 $0x14000, s12;
	[sflag:s31] =	ssyncset.done @!p1 $0x0  }
.LBB2_6:
0x4f: {  	s18 =	sadd.s32 s16, s0;
	s16 =	smov.u32 s24;
	s24 =	sadd.s32 $0x10, s24  }
0x50: {  	[sflag:s31] =	ssyncadd.s32 @!p1 $0xFFFFEC00;
	p2 =	sne.s32 s24, $0x100  }
.Ltmp2:
0x51: {  	p1 =	sgt.u32 s18, $0xF9;
	(pc) =	sbr.rel @p2 .LBB2_6-.Ltmp2, $4  }
0x52: {  	s18 =	simm.s32 @!p1 $0x2710;
	s31 =	simm.s32 @!p1 $0x7  }
0x53: {  	[spmem:s15] =	stream.linear.scatter @!p1 [tilespmem:s18], [sflag:$0x7], $0x1400, $0x38;
	[tilespmem:$0x1F360] =	vst v63  }
0x54: {  	_ =	swait.ge @!p1 [sflag:s31], $0x1400  }
0x55: {  	s15 =	sadd.s32 $0x14000, s15;
	[sflag:s31] =	ssyncset.done @!p1 $0x0  }
0x56: {  	s16 =	sadd.s32 s16, s0  }
0x57: {  	p2 =	sgt.u32 s16, $0xF9  }
0x58: {  	[sflag:s31] =	ssyncadd.s32 @!p1 $0xFFFFEC00;
	s16 =	simm.s32 @!p2 $0x2710  }
0x59: {  	[spmem:s15] =	stream.linear.scatter @!p2 [tilespmem:s16], [sflag:$0x7], $0x1400, $0x38;
	[tilespmem:$0x1F360] =	vst v63  }
0x5a: {  	s15 =	simm.s32 @!p2 $0x7  }
0x5b: {  	_ =	swait.ge @!p2 [sflag:s15], $0x1400  }
0x5c: {  	[sflag:s15] =	ssyncset.done @!p2 $0x0  }
0x5d: {  	s2 =	rddreg [dreg:$0x11];
	[sflag:s15] =	ssyncadd.s32 @!p2 $0xFFFFEC00  }
0x5e: {  	[spmem:s2] =	stream.linear.scatter [tilespmem:s5], [sflag:$0x7], $0x640, $0x38;
	[tilespmem:$0x1F360] =	vst v63  }
0x5f: {  	_ =	swait.ge [sflag:s6], $0x640  }
0x60: {  	[sflag:s6] =	ssyncset.done $0x0  }
0x61: {  	s16 =	rddreg [dreg:$0x12];
	[sflag:s6] =	ssyncadd.s32 $0xFFFFF9C0  }
0x62: {  	[spmem:s16] =	stream.linear.scatter [tilespmem:s5], [sflag:$0x7], $0x640, $0x38;
	[tilespmem:$0x1F360] =	vst v63  }
0x63: {  	_ =	swait.ge [sflag:s6], $0x640  }
0x64: {  	[sflag:s6] =	ssyncset.done $0x0  }
0x65: {  	s18 =	rddreg [dreg:$0x13];
	[sflag:s6] =	ssyncadd.s32 $0xFFFFF9C0  }
0x66: {  	[spmem:s18] =	stream.linear.scatter [tilespmem:s5], [sflag:$0x7], $0x640, $0x38;
	[tilespmem:$0x1F360] =	vst v63  }
0x67: {  	_ =	swait.ge [sflag:s6], $0x640  }
0x68: {  	[sflag:s6] =	ssyncset.done $0x0  }
0x69: {  	s24 =	rddreg [dreg:$0x14];
	[sflag:s6] =	ssyncadd.s32 $0xFFFFF9C0  }
0x6a: {  	[spmem:s24] =	stream.linear.scatter [tilespmem:s5], [sflag:$0x7], $0x640, $0x38;
	[tilespmem:$0x1F360] =	vst v63  }
0x6b: {  	_ =	swait.ge [sflag:s6], $0x640  }
0x6c: {  	[sflag:s6] =	ssyncset.done $0x0  }
0x6d: {  	s31 =	rddreg [dreg:$0x15];
	[sflag:s6] =	ssyncadd.s32 $0xFFFFF9C0  }
0x6e: {  	[spmem:s31] =	stream.linear.scatter [tilespmem:s5], [sflag:$0x7], $0x640, $0x38;
	[tilespmem:$0x1F360] =	vst v63  }
0x6f: {  	_ =	swait.ge [sflag:s6], $0x640  }
0x70: {  	[sflag:s6] =	ssyncset.done $0x0  }
0x71: {  	s15 =	rddreg [dreg:$0x16];
	[sflag:s6] =	ssyncadd.s32 $0xFFFFF9C0  }
0x72: {  	[spmem:s15] =	stream.linear.scatter [tilespmem:s5], [sflag:$0x7], $0x640, $0x38;
	[tilespmem:$0x1F360] =	vst v63  }
0x73: {  	_ =	swait.ge [sflag:s6], $0x640  }
0x74: {  	[sflag:s6] =	ssyncset.done $0x0  }
0x75: {  	s15 =	simm.s32 @!p0 $0x8D90;
	s2 =	rddreg [dreg:$0x17];
	[sflag:s6] =	ssyncadd.s32 $0xFFFFF9C0  }
0x76: {  	[spmem:s2] =	stream.linear.scatter @!p0 [tilespmem:s15], [sflag:$0x7], $0x640, $0x38;
	[tilespmem:$0x1F360] =	vst v63  }
0x77: {  	s15 =	simm.s32 @!p0 $0x7  }
0x78: {  	_ =	swait.ge @!p0 [sflag:s15], $0x640  }
0x79: {  	[sflag:s15] =	ssyncset.done @!p0 $0x0  }
0x7a: {  	[sflag:s15] =	ssyncadd.s32 @!p0 $0xFFFFF9C0  }
0x7b: {  	[bflag:$0x0] =	sbarrier.arrive $0xFFFF  }
0x7c: {  	s16 =	simm.s32 $0x0;
	s18 =	rddreg [dreg:$0x6]  }
0x7d: {  	[tilespmem:s16], [sflag:$0x7] =	stream.linear.gather [hbm4b:s18+s16], $0x1388, $0x38;
	[tilespmem:$0x1F360] =	vst v63  }
0x7e: {  	_ =	swait.ge [sflag:s6], $0x1388  }
0x7f: {  	[sflag:s6] =	ssyncset.done $0x0  }
0x80: {  	s24 =	rddreg [dreg:$0x1f];
	[sflag:s6] =	ssyncadd.s32 $0xFFFFEC78  }
0x81: {  	[tilespmem:s19], [sflag:$0x7] =	stream.linear.gather [hbm4b:s24+s16], $0x1388, $0x38;
	[tilespmem:$0x1F360] =	vst v63  }
0x82: {  	_ =	swait.ge [sflag:s6], $0x1388  }
0x83: {  	[sflag:s6] =	ssyncset.done $0x0  }
0x84: {  	[sflag:s6] =	ssyncadd.s32 $0xFFFFEC78  }
0x85: {  	[tilespmem:s8], [sflag:$0x1] =	stream.indirect.gather [hbm4b:s10+s7], $0x80, s16, s7, $0xb8;
	[tilespmem:$0x1F360] =	vst v63  }
0x86: {  	_ = 	snop  }
0x87: {  	[spmem:s14] =	stream.indirect.scatter.add.f32 [tilespmem:s9], [sflag:$0x6], $0x10, s19, s7, $0xb8;
	[tilespmem:$0x1F360] =	vst v63  }
0x88: {  	_ = 	snop  }
0x89: {  	[tilespmem:s11], [sflag:$0x2] =	stream.indirect.gather [hbm4b:s10+s7], $0x80, s7, s7, $0xb8;
	[tilespmem:$0x1F360] =	vst v63  }
0x8a: {  	s31 =	simm.s32 $0x13B0  }
0x8b: {  	[spmem:s14] =	stream.indirect.scatter.add.f32 [tilespmem:s9], [sflag:$0x6], $0x10, s31, s7, $0xb8;
	[tilespmem:$0x1F360] =	vst v63  }
0x8c: {  	s15 =	simm.s32 $0x50  }
0x8d: {  	[tilespmem:s17], [sflag:$0x3] =	stream.indirect.gather [hbm4b:s10+s7], $0x80, s15, s7, $0xb8;
	[tilespmem:$0x1F360] =	vst v63  }
0x8e: {  	s16 =	simm.s32 $0x13D8  }
0x8f: {  	[spmem:s14] =	stream.indirect.scatter.add.f32 [tilespmem:s9], [sflag:$0x6], $0x10, s16, s7, $0xb8;
	[tilespmem:$0x1F360] =	vst v63  }
0x90: {  	s18 =	simm.s32 $0x78  }
0x91: {  	[tilespmem:s20], [sflag:$0x4] =	stream.indirect.gather [hbm4b:s10+s7], $0x80, s18, s7, $0xb8;
	[tilespmem:$0x1F360] =	vst v63  }
0x92: {  	s24 =	simm.s32 $0x1400  }
0x93: {  	[spmem:s14] =	stream.indirect.scatter.add.f32 [tilespmem:s9], [sflag:$0x6], $0x10, s24, s7, $0xb8;
	[tilespmem:$0x1F360] =	vst v63  }
0x94: {  	s31 =	simm.s32 $0xA0  }
0x95: {  	[tilespmem:s23], [sflag:$0x5] =	stream.indirect.gather [hbm4b:s10+s7], $0x80, s31, s7, $0xb8;
	[tilespmem:$0x1F360] =	vst v63  }
0x96: {  	s15 =	simm.s32 $0x1428  }
0x97: {  	[spmem:s14] =	stream.indirect.scatter.add.f32 [tilespmem:s9], [sflag:$0x6], $0x10, s15, s7, $0xb8;
	[tilespmem:$0x1F360] =	vst v63  }
0x98: {  	_ =	swait.ge [sflag:s25], $0x1400  }
0x99: {  	[sflag:s25] =	ssyncset.done $0x0  }
0x9a: {  	s16 =	simm.s32 $0x1388;
	[sflag:s25] =	ssyncadd.s32 $0xFFFFEC00  }
0x9b: {  	[spmem:s13] =	stream.indirect.scatter.add.f32 [tilespmem:s8], [sflag:$0x7], $0x80, s16, s7, $0xb8;
	[tilespmem:$0x1F360] =	vst v63  }
0x9c: {  	_ =	swait.ge [sflag:s6], $0x1400  }
0x9d: {  	[sflag:s6] =	ssyncset.done $0x0  }
0x9e: {  	s18 =	simm.s32 $0xC8;
	[sflag:s6] =	ssyncadd.s32 $0xFFFFEC00  }
0x9f: {  	[tilespmem:s8], [sflag:$0x1] =	stream.indirect.gather [hbm4b:s10+s7], $0x80, s18, s7, $0xb8;
	[tilespmem:$0x1F360] =	vst v63  }
0xa0: {  	s24 =	simm.s32 $0x1450  }
0xa1: {  	[spmem:s14] =	stream.indirect.scatter.add.f32 [tilespmem:s9], [sflag:$0x6], $0x10, s24, s7, $0xb8;
	[tilespmem:$0x1F360] =	vst v63  }
0xa2: {  	_ =	swait.ge [sflag:s26], $0x1400  }
0xa3: {  	[sflag:s26] =	ssyncset.done $0x0  }
0xa4: {  	s31 =	simm.s32 $0x13B0;
	[sflag:s26] =	ssyncadd.s32 $0xFFFFEC00  }
0xa5: {  	[spmem:s13] =	stream.indirect.scatter.add.f32 [tilespmem:s11], [sflag:$0x7], $0x80, s31, s7, $0xb8;
	[tilespmem:$0x1F360] =	vst v63  }
0xa6: {  	_ =	swait.ge [sflag:s6], $0x1400  }
0xa7: {  	[sflag:s6] =	ssyncset.done $0x0  }
0xa8: {  	s2 =	simm.s32 $0xF0;
	[sflag:s6] =	ssyncadd.s32 $0xFFFFEC00  }
0xa9: {  	[tilespmem:s11], [sflag:$0x2] =	stream.indirect.gather [hbm4b:s10+s7], $0x80, s2, s7, $0xb8;
	[tilespmem:$0x1F360] =	vst v63  }
0xaa: {  	s16 =	simm.s32 $0x1478  }
0xab: {  	[spmem:s14] =	stream.indirect.scatter.add.f32 [tilespmem:s9], [sflag:$0x6], $0x10, s16, s7, $0xb8;
	[tilespmem:$0x1F360] =	vst v63  }
0xac: {  	_ =	swait.ge [sflag:s28], $0x1400  }
0xad: {  	[sflag:s28] =	ssyncset.done $0x0  }
0xae: {  	s18 =	simm.s32 $0x13D8;
	[sflag:s28] =	ssyncadd.s32 $0xFFFFEC00  }
0xaf: {  	[spmem:s13] =	stream.indirect.scatter.add.f32 [tilespmem:s17], [sflag:$0x7], $0x80, s18, s7, $0xb8;
	[tilespmem:$0x1F360] =	vst v63  }
0xb0: {  	_ =	swait.ge [sflag:s6], $0x1400  }
0xb1: {  	[sflag:s6] =	ssyncset.done $0x0  }
0xb2: {  	s24 =	simm.s32 $0x118;
	[sflag:s6] =	ssyncadd.s32 $0xFFFFEC00  }
0xb3: {  	[tilespmem:s17], [sflag:$0x3] =	stream.indirect.gather [hbm4b:s10+s7], $0x80, s24, s7, $0xb8;
	[tilespmem:$0x1F360] =	vst v63  }
0xb4: {  	s31 =	simm.s32 $0x14A0  }
0xb5: {  	[spmem:s14] =	stream.indirect.scatter.add.f32 [tilespmem:s9], [sflag:$0x6], $0x10, s31, s7, $0xb8;
	[tilespmem:$0x1F360] =	vst v63  }
0xb6: {  	_ =	swait.ge [sflag:s29], $0x1400  }
0xb7: {  	[sflag:s29] =	ssyncset.done $0x0  }
0xb8: {  	s2 =	simm.s32 $0x1400;
	[sflag:s29] =	ssyncadd.s32 $0xFFFFEC00  }
0xb9: {  	[spmem:s13] =	stream.indirect.scatter.add.f32 [tilespmem:s20], [sflag:$0x7], $0x80, s2, s7, $0xb8;
	[tilespmem:$0x1F360] =	vst v63  }
0xba: {  	_ =	swait.ge [sflag:s6], $0x1400  }
0xbb: {  	[sflag:s6] =	ssyncset.done $0x0  }
0xbc: {  	s16 =	simm.s32 $0x140;
	[sflag:s6] =	ssyncadd.s32 $0xFFFFEC00  }
0xbd: {  	[tilespmem:s20], [sflag:$0x4] =	stream.indirect.gather [hbm4b:s10+s7], $0x80, s16, s7, $0xb8;
	[tilespmem:$0x1F360] =	vst v63  }
0xbe: {  	s18 =	simm.s32 $0x14C8  }
0xbf: {  	[spmem:s14] =	stream.indirect.scatter.add.f32 [tilespmem:s9], [sflag:$0x6], $0x10, s18, s7, $0xb8;
	[tilespmem:$0x1F360] =	vst v63  }
0xc0: {  	_ =	swait.ge [sflag:s30], $0x1400  }
0xc1: {  	[sflag:s30] =	ssyncset.done $0x0  }
0xc2: {  	s24 =	simm.s32 $0x1428;
	[sflag:s30] =	ssyncadd.s32 $0xFFFFEC00  }
0xc3: {  	[spmem:s13] =	stream.indirect.scatter.add.f32 [tilespmem:s23], [sflag:$0x7], $0x80, s24, s7, $0xb8;
	[tilespmem:$0x1F360] =	vst v63  }
0xc4: {  	_ =	swait.ge [sflag:s6], $0x1400  }
0xc5: {  	s15 =	simm.s32 $0x14F0;
	[sflag:s6] =	ssyncset.done $0x0  }
0xc6: {  	s31 =	simm.s32 $0x168;
	s24 =	simm.s32 $0x320;
	[sflag:s6] =	ssyncadd.s32 $0xFFFFEC00  }
0xc7: {  	[tilespmem:s23], [sflag:$0x5] =	stream.indirect.gather [hbm4b:s10+s7], $0x80, s31, s7, $0xb8;
	[tilespmem:$0x1F360] =	vst v63  }
.LBB2_8:
0xc8: {  	[spmem:s14] =	stream.indirect.scatter.add.f32 [tilespmem:s9], [sflag:$0x6], $0x10, s15, s7, $0xb8;
	[tilespmem:$0x1F360] =	vst v63  }
0xc9: {  	s15 =	smov.u32 s24  }
0xca: {  	p1 =	sne.s32 s24, $0x47E0;
	s24 =	sadd.s32 $0x320, s24;
	_ =	swait.ge [sflag:s25], $0x1400  }
0xcb: {  	s15 =	sshra.s32 s15, $0x2;
	[sflag:s25] =	ssyncset.done $0x0  }
0xcc: {  	s16 =	sadd.s32 $0x1388, s15;
	[sflag:s25] =	ssyncadd.s32 $0xFFFFEC00  }
0xcd: {  	[spmem:s13] =	stream.indirect.scatter.add.f32 [tilespmem:s8], [sflag:$0x7], $0x80, s16, s7, $0xb8;
	[tilespmem:$0x1F360] =	vst v63  }
0xce: {  	_ =	swait.ge [sflag:s6], $0x1400  }
0xcf: {  	[sflag:s6] =	ssyncset.done $0x0  }
0xd0: {  	s16 =	sadd.s32 $0xC8, s15;
	[sflag:s6] =	ssyncadd.s32 $0xFFFFEC00  }
0xd1: {  	[tilespmem:s8], [sflag:$0x1] =	stream.indirect.gather [hbm4b:s10+s7], $0x80, s16, s7, $0xb8;
	[tilespmem:$0x1F360] =	vst v63  }
0xd2: {  	s16 =	sadd.s32 $0x1450, s15  }
0xd3: {  	[spmem:s14] =	stream.indirect.scatter.add.f32 [tilespmem:s9], [sflag:$0x6], $0x10, s16, s7, $0xb8;
	[tilespmem:$0x1F360] =	vst v63  }
0xd4: {  	_ =	swait.ge [sflag:s26], $0x1400  }
0xd5: {  	[sflag:s26] =	ssyncset.done $0x0  }
0xd6: {  	s16 =	sadd.s32 $0x13B0, s15;
	[sflag:s26] =	ssyncadd.s32 $0xFFFFEC00  }
0xd7: {  	[spmem:s13] =	stream.indirect.scatter.add.f32 [tilespmem:s11], [sflag:$0x7], $0x80, s16, s7, $0xb8;
	[tilespmem:$0x1F360] =	vst v63  }
0xd8: {  	_ =	swait.ge [sflag:s6], $0x1400  }
0xd9: {  	[sflag:s6] =	ssyncset.done $0x0  }
0xda: {  	s16 =	sadd.s32 $0xF0, s15;
	[sflag:s6] =	ssyncadd.s32 $0xFFFFEC00  }
0xdb: {  	[tilespmem:s11], [sflag:$0x2] =	stream.indirect.gather [hbm4b:s10+s7], $0x80, s16, s7, $0xb8;
	[tilespmem:$0x1F360] =	vst v63  }
0xdc: {  	s16 =	sadd.s32 $0x1478, s15  }
0xdd: {  	[spmem:s14] =	stream.indirect.scatter.add.f32 [tilespmem:s9], [sflag:$0x6], $0x10, s16, s7, $0xb8;
	[tilespmem:$0x1F360] =	vst v63  }
0xde: {  	_ =	swait.ge [sflag:s28], $0x1400  }
0xdf: {  	[sflag:s28] =	ssyncset.done $0x0  }
0xe0: {  	s16 =	sadd.s32 $0x13D8, s15;
	[sflag:s28] =	ssyncadd.s32 $0xFFFFEC00  }
0xe1: {  	[spmem:s13] =	stream.indirect.scatter.add.f32 [tilespmem:s17], [sflag:$0x7], $0x80, s16, s7, $0xb8;
	[tilespmem:$0x1F360] =	vst v63  }
0xe2: {  	_ =	swait.ge [sflag:s6], $0x1400  }
0xe3: {  	[sflag:s6] =	ssyncset.done $0x0  }
0xe4: {  	s16 =	sadd.s32 $0x118, s15;
	[sflag:s6] =	ssyncadd.s32 $0xFFFFEC00  }
0xe5: {  	[tilespmem:s17], [sflag:$0x3] =	stream.indirect.gather [hbm4b:s10+s7], $0x80, s16, s7, $0xb8;
	[tilespmem:$0x1F360] =	vst v63  }
0xe6: {  	s16 =	sadd.s32 $0x14A0, s15  }
0xe7: {  	[spmem:s14] =	stream.indirect.scatter.add.f32 [tilespmem:s9], [sflag:$0x6], $0x10, s16, s7, $0xb8;
	[tilespmem:$0x1F360] =	vst v63  }
0xe8: {  	_ =	swait.ge [sflag:s29], $0x1400  }
0xe9: {  	[sflag:s29] =	ssyncset.done $0x0  }
0xea: {  	s16 =	sadd.s32 $0x1400, s15;
	[sflag:s29] =	ssyncadd.s32 $0xFFFFEC00  }
0xeb: {  	[spmem:s13] =	stream.indirect.scatter.add.f32 [tilespmem:s20], [sflag:$0x7], $0x80, s16, s7, $0xb8;
	[tilespmem:$0x1F360] =	vst v63  }
0xec: {  	_ =	swait.ge [sflag:s6], $0x1400  }
0xed: {  	[sflag:s6] =	ssyncset.done $0x0  }
0xee: {  	s16 =	sadd.s32 $0x140, s15;
	[sflag:s6] =	ssyncadd.s32 $0xFFFFEC00  }
0xef: {  	[tilespmem:s20], [sflag:$0x4] =	stream.indirect.gather [hbm4b:s10+s7], $0x80, s16, s7, $0xb8;
	[tilespmem:$0x1F360] =	vst v63  }
0xf0: {  	s16 =	sadd.s32 $0x14C8, s15  }
0xf1: {  	[spmem:s14] =	stream.indirect.scatter.add.f32 [tilespmem:s9], [sflag:$0x6], $0x10, s16, s7, $0xb8;
	[tilespmem:$0x1F360] =	vst v63  }
0xf2: {  	_ =	swait.ge [sflag:s30], $0x1400  }
0xf3: {  	[sflag:s30] =	ssyncset.done $0x0  }
0xf4: {  	s16 =	sadd.s32 $0x1428, s15;
	[sflag:s30] =	ssyncadd.s32 $0xFFFFEC00  }
0xf5: {  	[spmem:s13] =	stream.indirect.scatter.add.f32 [tilespmem:s23], [sflag:$0x7], $0x80, s16, s7, $0xb8;
	[tilespmem:$0x1F360] =	vst v63  }
.Ltmp3:
0xf6: {  	_ =	swait.ge [sflag:s6], $0x1400;
	(pc) =	sbr.rel @p1 .LBB2_8-.Ltmp3, $4  }
0xf7: {  	[sflag:s6] =	ssyncset.done $0x0  }
0xf8: {  	s16 =	sadd.s32 $0x168, s15;
	[sflag:s6] =	ssyncadd.s32 $0xFFFFEC00  }
0xf9: {  	[tilespmem:s23], [sflag:$0x5] =	stream.indirect.gather [hbm4b:s10+s7], $0x80, s16, s7, $0xb8;
	[tilespmem:$0x1F360] =	vst v63  }
0xfa: {  	s15 =	sadd.s32 $0x14F0, s15  }
0xfb: {  	[spmem:s14] =	stream.indirect.scatter.add.f32 [tilespmem:s9], [sflag:$0x6], $0x10, s15, s7, $0xb8;
	[tilespmem:$0x1F360] =	vst v63  }
0xfc: {  	_ =	swait.ge [sflag:s25], $0x1400  }
0xfd: {  	[sflag:s25] =	ssyncset.done $0x0  }
0xfe: {  	s2 =	simm.s32 $0x2648;
	[sflag:s25] =	ssyncadd.s32 $0xFFFFEC00  }
0xff: {  	[spmem:s13] =	stream.indirect.scatter.add.f32 [tilespmem:s8], [sflag:$0x7], $0x80, s2, s7, $0xb8;
	[tilespmem:$0x1F360] =	vst v63  }
0x100: {  	_ =	swait.ge [sflag:s6], $0x1400  }
0x101: {  	[sflag:s6] =	ssyncset.done $0x0  }
0x102: {  	[sflag:s6] =	ssyncadd.s32 $0xFFFFEC00  }
0x103: {  	_ =	swait.ge [sflag:s26], $0x1400  }
0x104: {  	[sflag:s26] =	ssyncset.done $0x0  }
0x105: {  	s16 =	simm.s32 $0x2670;
	[sflag:s26] =	ssyncadd.s32 $0xFFFFEC00  }
0x106: {  	[spmem:s13] =	stream.indirect.scatter.add.f32 [tilespmem:s11], [sflag:$0x7], $0x80, s16, s7, $0xb8;
	[tilespmem:$0x1F360] =	vst v63  }
0x107: {  	_ =	swait.ge [sflag:s6], $0x1400  }
0x108: {  	[sflag:s6] =	ssyncset.done $0x0  }
0x109: {  	[sflag:s6] =	ssyncadd.s32 $0xFFFFEC00  }
0x10a: {  	_ =	swait.ge [sflag:s28], $0x1400  }
0x10b: {  	[sflag:s28] =	ssyncset.done $0x0  }
0x10c: {  	s18 =	simm.s32 $0x2698;
	[sflag:s28] =	ssyncadd.s32 $0xFFFFEC00  }
0x10d: {  	[spmem:s13] =	stream.indirect.scatter.add.f32 [tilespmem:s17], [sflag:$0x7], $0x80, s18, s7, $0xb8;
	[tilespmem:$0x1F360] =	vst v63  }
0x10e: {  	_ =	swait.ge [sflag:s6], $0x1400  }
0x10f: {  	[sflag:s6] =	ssyncset.done $0x0  }
0x110: {  	[sflag:s6] =	ssyncadd.s32 $0xFFFFEC00  }
0x111: {  	_ =	swait.ge [sflag:s29], $0x1400  }
0x112: {  	[sflag:s29] =	ssyncset.done $0x0  }
0x113: {  	s24 =	simm.s32 $0x26C0;
	[sflag:s29] =	ssyncadd.s32 $0xFFFFEC00  }
0x114: {  	[spmem:s13] =	stream.indirect.scatter.add.f32 [tilespmem:s20], [sflag:$0x7], $0x80, s24, s7, $0xb8;
	[tilespmem:$0x1F360] =	vst v63  }
0x115: {  	_ =	swait.ge [sflag:s6], $0x1400  }
0x116: {  	[sflag:s6] =	ssyncset.done $0x0  }
0x117: {  	[sflag:s6] =	ssyncadd.s32 $0xFFFFEC00  }
0x118: {  	_ =	swait.ge [sflag:s30], $0x1400  }
0x119: {  	[sflag:s30] =	ssyncset.done $0x0  }
0x11a: {  	s31 =	simm.s32 $0x26E8;
	[sflag:s30] =	ssyncadd.s32 $0xFFFFEC00  }
0x11b: {  	[spmem:s13] =	stream.indirect.scatter.add.f32 [tilespmem:s23], [sflag:$0x7], $0x80, s31, s7, $0xb8;
	[tilespmem:$0x1F360] =	vst v63  }
0x11c: {  	_ =	swait.ge [sflag:s6], $0x1400  }
0x11d: {  	[sflag:s6] =	ssyncset.done $0x0  }
0x11e: {  	[sflag:s6] =	ssyncadd.s32 $0xFFFFEC00  }
0x11f: {  	_ =	swait.ge [sflag:s4], $0x280  }
0x120: {  	s15 =	simm.s32 $0x7C;
	[sflag:s4] =	ssyncset.done $0x0  }
.LBB2_10:
0x121: {  	p1 =	sne.s32 s15, $0x1;
	s15 =	sadd.s32 $0xFFFFFFFF, s15;
	[sflag:s4] =	ssyncadd.s32 $0xFFFFFD80  }
.Ltmp4:
0x122: {  	(pc) =	sbr.rel @p1 .LBB2_10-.Ltmp4, $3  }
0x123: {  	_ =	sdelay $0x1  }
0x124: {  	_ =	swait.ge [sflag:s4], $0x280  }
0x125: {  	[sflag:s4] =	ssyncset.done $0x0  }
0x126: {  	[sflag:s4] =	ssyncadd.s32 $0xFFFFFD80;
	s15 =	simm.s32 $0x0;
	s2 =	rddreg [dreg:$0x7]  }
0x127: {  	[tilespmem:s15], [sflag:$0x7] =	stream.linear.gather [hbm4b:s2+s15], $0x1388, $0x38;
	[tilespmem:$0x1F360] =	vst v63  }
0x128: {  	_ =	swait.ge [sflag:s6], $0x1388  }
0x129: {  	[sflag:s6] =	ssyncset.done $0x0  }
0x12a: {  	s18 =	rddreg [dreg:$0x8];
	[sflag:s6] =	ssyncadd.s32 $0xFFFFEC78  }
0x12b: {  	[tilespmem:s19], [sflag:$0x7] =	stream.linear.gather [hbm4b:s18+s15], $0x1388, $0x38;
	[tilespmem:$0x1F360] =	vst v63  }
0x12c: {  	_ =	swait.ge [sflag:s6], $0x1388  }
0x12d: {  	[sflag:s6] =	ssyncset.done $0x0  }
0x12e: {  	[sflag:s6] =	ssyncadd.s32 $0xFFFFEC78  }
0x12f: {  	[tilespmem:s8], [sflag:$0x1] =	stream.indirect.gather [hbm4b:s10+s7], $0x80, s15, s7, $0xb8;
	[tilespmem:$0x1F360] =	vst v63  }
0x130: {  	_ = 	snop  }
0x131: {  	[spmem:s14] =	stream.indirect.scatter.add.f32 [tilespmem:s9], [sflag:$0x6], $0x10, s19, s7, $0xb8;
	[tilespmem:$0x1F360] =	vst v63  }
0x132: {  	_ = 	snop  }
0x133: {  	[tilespmem:s11], [sflag:$0x2] =	stream.indirect.gather [hbm4b:s10+s7], $0x80, s7, s7, $0xb8;
	[tilespmem:$0x1F360] =	vst v63  }
0x134: {  	s19 =	simm.s32 $0x13B0  }
0x135: {  	[spmem:s14] =	stream.indirect.scatter.add.f32 [tilespmem:s9], [sflag:$0x6], $0x10, s19, s7, $0xb8;
	[tilespmem:$0x1F360] =	vst v63  }
0x136: {  	s24 =	simm.s32 $0x50  }
0x137: {  	[tilespmem:s17], [sflag:$0x3] =	stream.indirect.gather [hbm4b:s10+s7], $0x80, s24, s7, $0xb8;
	[tilespmem:$0x1F360] =	vst v63  }
0x138: {  	s31 =	simm.s32 $0x13D8  }
0x139: {  	[spmem:s14] =	stream.indirect.scatter.add.f32 [tilespmem:s9], [sflag:$0x6], $0x10, s31, s7, $0xb8;
	[tilespmem:$0x1F360] =	vst v63  }
0x13a: {  	s15 =	simm.s32 $0x78  }
0x13b: {  	[tilespmem:s20], [sflag:$0x4] =	stream.indirect.gather [hbm4b:s10+s7], $0x80, s15, s7, $0xb8;
	[tilespmem:$0x1F360] =	vst v63  }
0x13c: {  	s16 =	simm.s32 $0x1400  }
0x13d: {  	[spmem:s14] =	stream.indirect.scatter.add.f32 [tilespmem:s9], [sflag:$0x6], $0x10, s16, s7, $0xb8;
	[tilespmem:$0x1F360] =	vst v63  }
0x13e: {  	s18 =	simm.s32 $0xA0  }
0x13f: {  	[tilespmem:s23], [sflag:$0x5] =	stream.indirect.gather [hbm4b:s10+s7], $0x80, s18, s7, $0xb8;
	[tilespmem:$0x1F360] =	vst v63  }
0x140: {  	s19 =	simm.s32 $0x1428  }
0x141: {  	[spmem:s14] =	stream.indirect.scatter.add.f32 [tilespmem:s9], [sflag:$0x6], $0x10, s19, s7, $0xb8;
	[tilespmem:$0x1F360] =	vst v63  }
0x142: {  	_ =	swait.ge [sflag:s25], $0x1400  }
0x143: {  	[sflag:s25] =	ssyncset.done $0x0  }
0x144: {  	s24 =	simm.s32 $0x1388;
	[sflag:s25] =	ssyncadd.s32 $0xFFFFEC00  }
0x145: {  	[spmem:s13] =	stream.indirect.scatter.add.f32 [tilespmem:s8], [sflag:$0x7], $0x80, s24, s7, $0xb8;
	[tilespmem:$0x1F360] =	vst v63  }
0x146: {  	_ =	swait.ge [sflag:s6], $0x1400  }
0x147: {  	[sflag:s6] =	ssyncset.done $0x0  }
0x148: {  	s31 =	simm.s32 $0xC8;
	[sflag:s6] =	ssyncadd.s32 $0xFFFFEC00  }
0x149: {  	[tilespmem:s8], [sflag:$0x1] =	stream.indirect.gather [hbm4b:s10+s7], $0x80, s31, s7, $0xb8;
	[tilespmem:$0x1F360] =	vst v63  }
0x14a: {  	s2 =	simm.s32 $0x1450  }
0x14b: {  	[spmem:s14] =	stream.indirect.scatter.add.f32 [tilespmem:s9], [sflag:$0x6], $0x10, s2, s7, $0xb8;
	[tilespmem:$0x1F360] =	vst v63  }
0x14c: {  	_ =	swait.ge [sflag:s26], $0x1400  }
0x14d: {  	[sflag:s26] =	ssyncset.done $0x0  }
0x14e: {  	s16 =	simm.s32 $0x13B0;
	[sflag:s26] =	ssyncadd.s32 $0xFFFFEC00  }
0x14f: {  	[spmem:s13] =	stream.indirect.scatter.add.f32 [tilespmem:s11], [sflag:$0x7], $0x80, s16, s7, $0xb8;
	[tilespmem:$0x1F360] =	vst v63  }
0x150: {  	_ =	swait.ge [sflag:s6], $0x1400  }
0x151: {  	[sflag:s6] =	ssyncset.done $0x0  }
0x152: {  	s18 =	simm.s32 $0xF0;
	[sflag:s6] =	ssyncadd.s32 $0xFFFFEC00  }
0x153: {  	[tilespmem:s11], [sflag:$0x2] =	stream.indirect.gather [hbm4b:s10+s7], $0x80, s18, s7, $0xb8;
	[tilespmem:$0x1F360] =	vst v63  }
0x154: {  	s19 =	simm.s32 $0x1478  }
0x155: {  	[spmem:s14] =	stream.indirect.scatter.add.f32 [tilespmem:s9], [sflag:$0x6], $0x10, s19, s7, $0xb8;
	[tilespmem:$0x1F360] =	vst v63  }
0x156: {  	_ =	swait.ge [sflag:s28], $0x1400  }
0x157: {  	[sflag:s28] =	ssyncset.done $0x0  }
0x158: {  	s24 =	simm.s32 $0x13D8;
	[sflag:s28] =	ssyncadd.s32 $0xFFFFEC00  }
0x159: {  	[spmem:s13] =	stream.indirect.scatter.add.f32 [tilespmem:s17], [sflag:$0x7], $0x80, s24, s7, $0xb8;
	[tilespmem:$0x1F360] =	vst v63  }
0x15a: {  	_ =	swait.ge [sflag:s6], $0x1400  }
0x15b: {  	[sflag:s6] =	ssyncset.done $0x0  }
0x15c: {  	s31 =	simm.s32 $0x118;
	[sflag:s6] =	ssyncadd.s32 $0xFFFFEC00  }
0x15d: {  	[tilespmem:s17], [sflag:$0x3] =	stream.indirect.gather [hbm4b:s10+s7], $0x80, s31, s7, $0xb8;
	[tilespmem:$0x1F360] =	vst v63  }
0x15e: {  	s2 =	simm.s32 $0x14A0  }
0x15f: {  	[spmem:s14] =	stream.indirect.scatter.add.f32 [tilespmem:s9], [sflag:$0x6], $0x10, s2, s7, $0xb8;
	[tilespmem:$0x1F360] =	vst v63  }
0x160: {  	_ =	swait.ge [sflag:s29], $0x1400  }
0x161: {  	[sflag:s29] =	ssyncset.done $0x0  }
0x162: {  	s16 =	simm.s32 $0x1400;
	[sflag:s29] =	ssyncadd.s32 $0xFFFFEC00  }
0x163: {  	[spmem:s13] =	stream.indirect.scatter.add.f32 [tilespmem:s20], [sflag:$0x7], $0x80, s16, s7, $0xb8;
	[tilespmem:$0x1F360] =	vst v63  }
0x164: {  	_ =	swait.ge [sflag:s6], $0x1400  }
0x165: {  	[sflag:s6] =	ssyncset.done $0x0  }
0x166: {  	s18 =	simm.s32 $0x140;
	[sflag:s6] =	ssyncadd.s32 $0xFFFFEC00  }
0x167: {  	[tilespmem:s20], [sflag:$0x4] =	stream.indirect.gather [hbm4b:s10+s7], $0x80, s18, s7, $0xb8;
	[tilespmem:$0x1F360] =	vst v63  }
0x168: {  	s19 =	simm.s32 $0x14C8  }
0x169: {  	[spmem:s14] =	stream.indirect.scatter.add.f32 [tilespmem:s9], [sflag:$0x6], $0x10, s19, s7, $0xb8;
	[tilespmem:$0x1F360] =	vst v63  }
0x16a: {  	_ =	swait.ge [sflag:s30], $0x1400  }
0x16b: {  	[sflag:s30] =	ssyncset.done $0x0  }
0x16c: {  	s24 =	simm.s32 $0x1428;
	[sflag:s30] =	ssyncadd.s32 $0xFFFFEC00  }
0x16d: {  	[spmem:s13] =	stream.indirect.scatter.add.f32 [tilespmem:s23], [sflag:$0x7], $0x80, s24, s7, $0xb8;
	[tilespmem:$0x1F360] =	vst v63  }
0x16e: {  	_ =	swait.ge [sflag:s6], $0x1400  }
0x16f: {  	s15 =	simm.s32 $0x14F0;
	[sflag:s6] =	ssyncset.done $0x0  }
0x170: {  	s31 =	simm.s32 $0x168;
	s24 =	simm.s32 $0x320;
	[sflag:s6] =	ssyncadd.s32 $0xFFFFEC00  }
0x171: {  	[tilespmem:s23], [sflag:$0x5] =	stream.indirect.gather [hbm4b:s10+s7], $0x80, s31, s7, $0xb8;
	[tilespmem:$0x1F360] =	vst v63  }
.LBB2_12:
0x172: {  	[spmem:s14] =	stream.indirect.scatter.add.f32 [tilespmem:s9], [sflag:$0x6], $0x10, s15, s7, $0xb8;
	[tilespmem:$0x1F360] =	vst v63  }
0x173: {  	s15 =	smov.u32 s24  }
0x174: {  	p1 =	sne.s32 s24, $0x47E0;
	s24 =	sadd.s32 $0x320, s24;
	_ =	swait.ge [sflag:s25], $0x1400  }
0x175: {  	s15 =	sshra.s32 s15, $0x2;
	[sflag:s25] =	ssyncset.done $0x0  }
0x176: {  	s16 =	sadd.s32 $0x1388, s15;
	[sflag:s25] =	ssyncadd.s32 $0xFFFFEC00  }
0x177: {  	[spmem:s13] =	stream.indirect.scatter.add.f32 [tilespmem:s8], [sflag:$0x7], $0x80, s16, s7, $0xb8;
	[tilespmem:$0x1F360] =	vst v63  }
0x178: {  	_ =	swait.ge [sflag:s6], $0x1400  }
0x179: {  	[sflag:s6] =	ssyncset.done $0x0  }
0x17a: {  	s16 =	sadd.s32 $0xC8, s15;
	[sflag:s6] =	ssyncadd.s32 $0xFFFFEC00  }
0x17b: {  	[tilespmem:s8], [sflag:$0x1] =	stream.indirect.gather [hbm4b:s10+s7], $0x80, s16, s7, $0xb8;
	[tilespmem:$0x1F360] =	vst v63  }
0x17c: {  	s16 =	sadd.s32 $0x1450, s15  }
0x17d: {  	[spmem:s14] =	stream.indirect.scatter.add.f32 [tilespmem:s9], [sflag:$0x6], $0x10, s16, s7, $0xb8;
	[tilespmem:$0x1F360] =	vst v63  }
0x17e: {  	_ =	swait.ge [sflag:s26], $0x1400  }
0x17f: {  	[sflag:s26] =	ssyncset.done $0x0  }
0x180: {  	s16 =	sadd.s32 $0x13B0, s15;
	[sflag:s26] =	ssyncadd.s32 $0xFFFFEC00  }
0x181: {  	[spmem:s13] =	stream.indirect.scatter.add.f32 [tilespmem:s11], [sflag:$0x7], $0x80, s16, s7, $0xb8;
	[tilespmem:$0x1F360] =	vst v63  }
0x182: {  	_ =	swait.ge [sflag:s6], $0x1400  }
0x183: {  	[sflag:s6] =	ssyncset.done $0x0  }
0x184: {  	s16 =	sadd.s32 $0xF0, s15;
	[sflag:s6] =	ssyncadd.s32 $0xFFFFEC00  }
0x185: {  	[tilespmem:s11], [sflag:$0x2] =	stream.indirect.gather [hbm4b:s10+s7], $0x80, s16, s7, $0xb8;
	[tilespmem:$0x1F360] =	vst v63  }
0x186: {  	s16 =	sadd.s32 $0x1478, s15  }
0x187: {  	[spmem:s14] =	stream.indirect.scatter.add.f32 [tilespmem:s9], [sflag:$0x6], $0x10, s16, s7, $0xb8;
	[tilespmem:$0x1F360] =	vst v63  }
0x188: {  	_ =	swait.ge [sflag:s28], $0x1400  }
0x189: {  	[sflag:s28] =	ssyncset.done $0x0  }
0x18a: {  	s16 =	sadd.s32 $0x13D8, s15;
	[sflag:s28] =	ssyncadd.s32 $0xFFFFEC00  }
0x18b: {  	[spmem:s13] =	stream.indirect.scatter.add.f32 [tilespmem:s17], [sflag:$0x7], $0x80, s16, s7, $0xb8;
	[tilespmem:$0x1F360] =	vst v63  }
0x18c: {  	_ =	swait.ge [sflag:s6], $0x1400  }
0x18d: {  	[sflag:s6] =	ssyncset.done $0x0  }
0x18e: {  	s16 =	sadd.s32 $0x118, s15;
	[sflag:s6] =	ssyncadd.s32 $0xFFFFEC00  }
0x18f: {  	[tilespmem:s17], [sflag:$0x3] =	stream.indirect.gather [hbm4b:s10+s7], $0x80, s16, s7, $0xb8;
	[tilespmem:$0x1F360] =	vst v63  }
0x190: {  	s16 =	sadd.s32 $0x14A0, s15  }
0x191: {  	[spmem:s14] =	stream.indirect.scatter.add.f32 [tilespmem:s9], [sflag:$0x6], $0x10, s16, s7, $0xb8;
	[tilespmem:$0x1F360] =	vst v63  }
0x192: {  	_ =	swait.ge [sflag:s29], $0x1400  }
0x193: {  	[sflag:s29] =	ssyncset.done $0x0  }
0x194: {  	s16 =	sadd.s32 $0x1400, s15;
	[sflag:s29] =	ssyncadd.s32 $0xFFFFEC00  }
0x195: {  	[spmem:s13] =	stream.indirect.scatter.add.f32 [tilespmem:s20], [sflag:$0x7], $0x80, s16, s7, $0xb8;
	[tilespmem:$0x1F360] =	vst v63  }
0x196: {  	_ =	swait.ge [sflag:s6], $0x1400  }
0x197: {  	[sflag:s6] =	ssyncset.done $0x0  }
0x198: {  	s16 =	sadd.s32 $0x140, s15;
	[sflag:s6] =	ssyncadd.s32 $0xFFFFEC00  }
0x199: {  	[tilespmem:s20], [sflag:$0x4] =	stream.indirect.gather [hbm4b:s10+s7], $0x80, s16, s7, $0xb8;
	[tilespmem:$0x1F360] =	vst v63  }
0x19a: {  	s16 =	sadd.s32 $0x14C8, s15  }
0x19b: {  	[spmem:s14] =	stream.indirect.scatter.add.f32 [tilespmem:s9], [sflag:$0x6], $0x10, s16, s7, $0xb8;
	[tilespmem:$0x1F360] =	vst v63  }
0x19c: {  	_ =	swait.ge [sflag:s30], $0x1400  }
0x19d: {  	[sflag:s30] =	ssyncset.done $0x0  }
0x19e: {  	s16 =	sadd.s32 $0x1428, s15;
	[sflag:s30] =	ssyncadd.s32 $0xFFFFEC00  }
0x19f: {  	[spmem:s13] =	stream.indirect.scatter.add.f32 [tilespmem:s23], [sflag:$0x7], $0x80, s16, s7, $0xb8;
	[tilespmem:$0x1F360] =	vst v63  }
.Ltmp5:
0x1a0: {  	_ =	swait.ge [sflag:s6], $0x1400;
	(pc) =	sbr.rel @p1 .LBB2_12-.Ltmp5, $4  }
0x1a1: {  	[sflag:s6] =	ssyncset.done $0x0  }
0x1a2: {  	s16 =	sadd.s32 $0x168, s15;
	[sflag:s6] =	ssyncadd.s32 $0xFFFFEC00  }
0x1a3: {  	[tilespmem:s23], [sflag:$0x5] =	stream.indirect.gather [hbm4b:s10+s7], $0x80, s16, s7, $0xb8;
	[tilespmem:$0x1F360] =	vst v63  }
0x1a4: {  	s15 =	sadd.s32 $0x14F0, s15  }
0x1a5: {  	[spmem:s14] =	stream.indirect.scatter.add.f32 [tilespmem:s9], [sflag:$0x6], $0x10, s15, s7, $0xb8;
	[tilespmem:$0x1F360] =	vst v63  }
0x1a6: {  	_ =	swait.ge [sflag:s25], $0x1400  }
0x1a7: {  	[sflag:s25] =	ssyncset.done $0x0  }
0x1a8: {  	s2 =	simm.s32 $0x2648;
	[sflag:s25] =	ssyncadd.s32 $0xFFFFEC00  }
0x1a9: {  	[spmem:s13] =	stream.indirect.scatter.add.f32 [tilespmem:s8], [sflag:$0x7], $0x80, s2, s7, $0xb8;
	[tilespmem:$0x1F360] =	vst v63  }
0x1aa: {  	_ =	swait.ge [sflag:s6], $0x1400  }
0x1ab: {  	[sflag:s6] =	ssyncset.done $0x0  }
0x1ac: {  	[sflag:s6] =	ssyncadd.s32 $0xFFFFEC00  }
0x1ad: {  	_ =	swait.ge [sflag:s26], $0x1400  }
0x1ae: {  	[sflag:s26] =	ssyncset.done $0x0  }
0x1af: {  	s18 =	simm.s32 $0x2670;
	[sflag:s26] =	ssyncadd.s32 $0xFFFFEC00  }
0x1b0: {  	[spmem:s13] =	stream.indirect.scatter.add.f32 [tilespmem:s11], [sflag:$0x7], $0x80, s18, s7, $0xb8;
	[tilespmem:$0x1F360] =	vst v63  }
0x1b1: {  	_ =	swait.ge [sflag:s6], $0x1400  }
0x1b2: {  	[sflag:s6] =	ssyncset.done $0x0  }
0x1b3: {  	[sflag:s6] =	ssyncadd.s32 $0xFFFFEC00  }
0x1b4: {  	_ =	swait.ge [sflag:s28], $0x1400  }
0x1b5: {  	[sflag:s28] =	ssyncset.done $0x0  }
0x1b6: {  	s19 =	simm.s32 $0x2698;
	[sflag:s28] =	ssyncadd.s32 $0xFFFFEC00  }
0x1b7: {  	[spmem:s13] =	stream.indirect.scatter.add.f32 [tilespmem:s17], [sflag:$0x7], $0x80, s19, s7, $0xb8;
	[tilespmem:$0x1F360] =	vst v63  }
0x1b8: {  	_ =	swait.ge [sflag:s6], $0x1400  }
0x1b9: {  	[sflag:s6] =	ssyncset.done $0x0  }
0x1ba: {  	[sflag:s6] =	ssyncadd.s32 $0xFFFFEC00  }
0x1bb: {  	_ =	swait.ge [sflag:s29], $0x1400  }
0x1bc: {  	[sflag:s29] =	ssyncset.done $0x0  }
0x1bd: {  	s24 =	simm.s32 $0x26C0;
	[sflag:s29] =	ssyncadd.s32 $0xFFFFEC00  }
0x1be: {  	[spmem:s13] =	stream.indirect.scatter.add.f32 [tilespmem:s20], [sflag:$0x7], $0x80, s24, s7, $0xb8;
	[tilespmem:$0x1F360] =	vst v63  }
0x1bf: {  	_ =	swait.ge [sflag:s6], $0x1400  }
0x1c0: {  	[sflag:s6] =	ssyncset.done $0x0  }
0x1c1: {  	[sflag:s6] =	ssyncadd.s32 $0xFFFFEC00  }
0x1c2: {  	_ =	swait.ge [sflag:s30], $0x1400  }
0x1c3: {  	[sflag:s30] =	ssyncset.done $0x0  }
0x1c4: {  	s31 =	simm.s32 $0x26E8;
	[sflag:s30] =	ssyncadd.s32 $0xFFFFEC00  }
0x1c5: {  	[spmem:s13] =	stream.indirect.scatter.add.f32 [tilespmem:s23], [sflag:$0x7], $0x80, s31, s7, $0xb8;
	[tilespmem:$0x1F360] =	vst v63  }
0x1c6: {  	_ =	swait.ge [sflag:s6], $0x1400  }
0x1c7: {  	[sflag:s6] =	ssyncset.done $0x0  }
0x1c8: {  	[sflag:s6] =	ssyncadd.s32 $0xFFFFEC00  }
0x1c9: {  	_ =	swait.ge [sflag:s4], $0x280  }
0x1ca: {  	s15 =	simm.s32 $0x7C;
	[sflag:s4] =	ssyncset.done $0x0  }
.LBB2_14:
0x1cb: {  	p1 =	sne.s32 s15, $0x1;
	s15 =	sadd.s32 $0xFFFFFFFF, s15;
	[sflag:s4] =	ssyncadd.s32 $0xFFFFFD80  }
.Ltmp6:
0x1cc: {  	(pc) =	sbr.rel @p1 .LBB2_14-.Ltmp6, $3  }
0x1cd: {  	_ =	sdelay $0x1  }
0x1ce: {  	_ =	swait.ge [sflag:s4], $0x280  }
0x1cf: {  	[sflag:s4] =	ssyncset.done $0x0  }
0x1d0: {  	[sflag:s4] =	ssyncadd.s32 $0xFFFFFD80;
	s15 =	sadd.s32 $0x0, s0  }
0x1d1: {  	[bflag:$0x0] =	sbarrier.arrive $0xFFFF;
	p1 =	sgt.u32 s15, $0xF9  }
0x1d2: {  	s15 =	simm.s32 @!p1 $0x2710;
	s16 =	simm.s32 @!p1 $0x8;
	p1 =	por p1, p1  }
0x1d3: {  	[tilespmem:s15], [sflag:$0x8] =	stream.linear.gather @!p1 [spmem:s12], $0x1400, $0x38;
	[tilespmem:$0x1F360] =	vst v63  }
0x1d4: {  	_ =	swait.ge @!p1 [sflag:s16], $0x1400  }
0x1d5: {  	s24 =	simm.s32 $0x20;
	[sflag:s16] =	ssyncset.done @!p1 $0x0  }
0x1d6: {  	s18 =	simm.s32 @!p1 $0x0;
	[sflag:s16] =	ssyncadd.s32 @!p1 $0xFFFFEC00;
	s16 =	simm.s32 @!p1 $0x7  }
0x1d7: {  	[hbm4b:s3+s18] =	stream.linear.scatter @!p1 [tilespmem:s15], [sflag:$0x7], $0x1400, $0x38;
	[tilespmem:$0x1F360] =	vst v63  }
0x1d8: {  	s19 =	sadd.s32 $0x10, s0;
	s31 =	sadd.s32 $0x14000, s12;
	_ =	swait.ge @!p1 [sflag:s16], $0x1400  }
0x1d9: {  	p2 =	sgt.u32 s19, $0xF9;
	s15 =	sadd.s32 $0x2800, s3;
	[sflag:s16] =	ssyncset.done @!p1 $0x0  }
.LBB2_16:
0x1da: {  	s18 =	simm.s32 @!p2 $0x2710;
	s19 =	simm.s32 @!p2 $0x8;
	[sflag:s16] =	ssyncadd.s32 @!p1 $0xFFFFEC00  }
0x1db: {  	s2 =	smov.u32 s24;
	p1 =	por p2, p2;
	s24 =	sadd.s32 $0x10, s24  }
0x1dc: {  	[tilespmem:s18], [sflag:$0x8] =	stream.linear.gather @!p1 [spmem:s31], $0x1400, $0x38;
	[tilespmem:$0x1F360] =	vst v63  }
0x1dd: {  	p3 =	sne.s32 s24, $0x100;
	_ =	swait.ge @!p1 [sflag:s19], $0x1400  }
.Ltmp7:
0x1de: {  	[sflag:s19] =	ssyncset.done @!p1 $0x0;
	(pc) =	sbr.rel @p3 .LBB2_16-.Ltmp7, $4  }
0x1df: {  	s16 =	simm.s32 @!p1 $0x7;
	[sflag:s19] =	ssyncadd.s32 @!p1 $0xFFFFEC00;
	s19 =	simm.s32 @!p1 $0x0  }
0x1e0: {  	[hbm4b:s15+s19] =	stream.linear.scatter @!p1 [tilespmem:s18], [sflag:$0x7], $0x1400, $0x38;
	[tilespmem:$0x1F360] =	vst v63  }
0x1e1: {  	s2 =	sadd.s32 s2, s0;
	s31 =	sadd.s32 $0x14000, s31;
	_ =	swait.ge @!p1 [sflag:s16], $0x1400  }
0x1e2: {  	p2 =	sgt.u32 s2, $0xF9;
	s15 =	sadd.s32 $0x2800, s15;
	[sflag:s16] =	ssyncset.done @!p1 $0x0  }
0x1e3: {  	s2 =	simm.s32 @!p2 $0x2710  }
0x1e4: {  	s18 =	simm.s32 @!p2 $0x8;
	[sflag:s16] =	ssyncadd.s32 @!p1 $0xFFFFEC00;
	p1 =	por p2, p2  }
0x1e5: {  	[tilespmem:s2], [sflag:$0x8] =	stream.linear.gather @!p1 [spmem:s31], $0x1400, $0x38;
	[tilespmem:$0x1F360] =	vst v63  }
0x1e6: {  	_ =	swait.ge @!p1 [sflag:s18], $0x1400  }
0x1e7: {  	[sflag:s18] =	ssyncset.done @!p1 $0x0  }
0x1e8: {  	s16 =	simm.s32 @!p1 $0x0;
	[sflag:s18] =	ssyncadd.s32 @!p1 $0xFFFFEC00;
	s18 =	simm.s32 @!p1 $0x7  }
0x1e9: {  	[hbm4b:s15+s16] =	stream.linear.scatter @!p1 [tilespmem:s2], [sflag:$0x7], $0x1400, $0x38;
	[tilespmem:$0x1F360] =	vst v63  }
0x1ea: {  	_ =	swait.ge @!p1 [sflag:s18], $0x1400  }
0x1eb: {  	[sflag:s18] =	ssyncset.done @!p1 $0x0  }
0x1ec: {  	s31 =	rddreg [dreg:$0x18];
	[sflag:s18] =	ssyncadd.s32 @!p1 $0xFFFFEC00  }
0x1ed: {  	[tilespmem:s5], [sflag:$0x8] =	stream.linear.gather [spmem:s31], $0x640, $0x38;
	[tilespmem:$0x1F360] =	vst v63  }
0x1ee: {  	_ =	swait.ge [sflag:s21], $0x640  }
0x1ef: {  	[sflag:s21] =	ssyncset.done $0x0  }
0x1f0: {  	s15 =	rddreg [dreg:$0x9];
	[sflag:s21] =	ssyncadd.s32 $0xFFFFF9C0  }
0x1f1: {  	[hbm4b:s15+s1] =	stream.linear.scatter [tilespmem:s5], [sflag:$0x7], $0x640, $0x38;
	[tilespmem:$0x1F360] =	vst v63  }
0x1f2: {  	_ =	swait.ge [sflag:s6], $0x640  }
0x1f3: {  	[sflag:s6] =	ssyncset.done $0x0  }
0x1f4: {  	s16 =	rddreg [dreg:$0x19];
	[sflag:s6] =	ssyncadd.s32 $0xFFFFF9C0  }
0x1f5: {  	[tilespmem:s5], [sflag:$0x8] =	stream.linear.gather [spmem:s16], $0x640, $0x38;
	[tilespmem:$0x1F360] =	vst v63  }
0x1f6: {  	_ =	swait.ge [sflag:s21], $0x640  }
0x1f7: {  	[sflag:s21] =	ssyncset.done $0x0  }
0x1f8: {  	s18 =	rddreg [dreg:$0xa];
	[sflag:s21] =	ssyncadd.s32 $0xFFFFF9C0  }
0x1f9: {  	[hbm4b:s18+s1] =	stream.linear.scatter [tilespmem:s5], [sflag:$0x7], $0x640, $0x38;
	[tilespmem:$0x1F360] =	vst v63  }
0x1fa: {  	_ =	swait.ge [sflag:s6], $0x640  }
0x1fb: {  	[sflag:s6] =	ssyncset.done $0x0  }
0x1fc: {  	s19 =	rddreg [dreg:$0x1a];
	[sflag:s6] =	ssyncadd.s32 $0xFFFFF9C0  }
0x1fd: {  	[tilespmem:s5], [sflag:$0x8] =	stream.linear.gather [spmem:s19], $0x640, $0x38;
	[tilespmem:$0x1F360] =	vst v63  }
0x1fe: {  	_ =	swait.ge [sflag:s21], $0x640  }
0x1ff: {  	[sflag:s21] =	ssyncset.done $0x0  }
0x200: {  	s24 =	rddreg [dreg:$0xb];
	[sflag:s21] =	ssyncadd.s32 $0xFFFFF9C0  }
0x201: {  	[hbm4b:s24+s1] =	stream.linear.scatter [tilespmem:s5], [sflag:$0x7], $0x640, $0x38;
	[tilespmem:$0x1F360] =	vst v63  }
0x202: {  	_ =	swait.ge [sflag:s6], $0x640  }
0x203: {  	[sflag:s6] =	ssyncset.done $0x0  }
0x204: {  	s31 =	rddreg [dreg:$0x1b];
	[sflag:s6] =	ssyncadd.s32 $0xFFFFF9C0  }
0x205: {  	[tilespmem:s5], [sflag:$0x8] =	stream.linear.gather [spmem:s31], $0x640, $0x38;
	[tilespmem:$0x1F360] =	vst v63  }
0x206: {  	_ =	swait.ge [sflag:s21], $0x640  }
0x207: {  	[sflag:s21] =	ssyncset.done $0x0  }
0x208: {  	s15 =	rddreg [dreg:$0xc];
	[sflag:s21] =	ssyncadd.s32 $0xFFFFF9C0  }
0x209: {  	[hbm4b:s15+s1] =	stream.linear.scatter [tilespmem:s5], [sflag:$0x7], $0x640, $0x38;
	[tilespmem:$0x1F360] =	vst v63  }
0x20a: {  	_ =	swait.ge [sflag:s6], $0x640  }
0x20b: {  	[sflag:s6] =	ssyncset.done $0x0  }
0x20c: {  	s16 =	rddreg [dreg:$0x1c];
	[sflag:s6] =	ssyncadd.s32 $0xFFFFF9C0  }
0x20d: {  	[tilespmem:s5], [sflag:$0x8] =	stream.linear.gather [spmem:s16], $0x640, $0x38;
	[tilespmem:$0x1F360] =	vst v63  }
0x20e: {  	_ =	swait.ge [sflag:s21], $0x640  }
0x20f: {  	[sflag:s21] =	ssyncset.done $0x0  }
0x210: {  	s18 =	rddreg [dreg:$0xd];
	[sflag:s21] =	ssyncadd.s32 $0xFFFFF9C0  }
0x211: {  	[hbm4b:s18+s1] =	stream.linear.scatter [tilespmem:s5], [sflag:$0x7], $0x640, $0x38;
	[tilespmem:$0x1F360] =	vst v63  }
0x212: {  	_ =	swait.ge [sflag:s6], $0x640  }
0x213: {  	[sflag:s6] =	ssyncset.done $0x0  }
0x214: {  	s19 =	rddreg [dreg:$0x1d];
	[sflag:s6] =	ssyncadd.s32 $0xFFFFF9C0  }
0x215: {  	[tilespmem:s5], [sflag:$0x8] =	stream.linear.gather [spmem:s19], $0x640, $0x38;
	[tilespmem:$0x1F360] =	vst v63  }
0x216: {  	_ =	swait.ge [sflag:s21], $0x640  }
0x217: {  	[sflag:s21] =	ssyncset.done $0x0  }
0x218: {  	s24 =	rddreg [dreg:$0xe];
	[sflag:s21] =	ssyncadd.s32 $0xFFFFF9C0  }
0x219: {  	[hbm4b:s24+s1] =	stream.linear.scatter [tilespmem:s5], [sflag:$0x7], $0x640, $0x38;
	[tilespmem:$0x1F360] =	vst v63  }
0x21a: {  	_ =	swait.ge [sflag:s6], $0x640  }
0x21b: {  	[sflag:s6] =	ssyncset.done $0x0  }
0x21c: {  	s2 =	simm.s32 @!p0 $0x8D90;
	s15 =	rddreg [dreg:$0x1e];
	[sflag:s6] =	ssyncadd.s32 $0xFFFFF9C0  }
0x21d: {  	[tilespmem:s2], [sflag:$0x8] =	stream.linear.gather @!p0 [spmem:s15], $0x640, $0x38;
	[tilespmem:$0x1F360] =	vst v63  }
0x21e: {  	s15 =	simm.s32 @!p0 $0x8  }
0x21f: {  	_ =	swait.ge @!p0 [sflag:s15], $0x640  }
0x220: {  	[sflag:s15] =	ssyncset.done @!p0 $0x0  }
0x221: {  	s16 =	rddreg [dreg:$0xf];
	[sflag:s15] =	ssyncadd.s32 @!p0 $0xFFFFF9C0;
	s15 =	simm.s32 @!p0 $0x0  }
0x222: {  	[hbm4b:s16+s15] =	stream.linear.scatter @!p0 [tilespmem:s2], [sflag:$0x7], $0x640, $0x38;
	[tilespmem:$0x1F360] =	vst v63  }
0x223: {  	s2 =	simm.s32 @!p0 $0x7  }
0x224: {  	_ =	swait.ge @!p0 [sflag:s2], $0x640  }
0x225: {  	s22 =	sadd.s32 $0x1, s22;
	s31 =	rddreg [dreg:$0x10]  }
0x226: {  	p1 =	sne.s32 s22, s31  }
.Ltmp8:
0x227: {  	_ = 	snop;
	(pc) =	sbr.rel @p1 .LBB2_1-.Ltmp8, $3  }
0x228: {  	_ =	sdelay $0x1  }
0x229: {  	[sflag:s2] =	ssyncset.done @!p0 $0x0  }
0x22a: {  	s19 =	simm.s32 $0x1388;
	[sflag:s2] =	ssyncadd.s32 @!p0 $0xFFFFF9C0  }
0x22b: {  	_ =	sfence.sel $0x180000  }
0x22c: {  	[bflag:$0x0] =	sbarrier.arrive $0xFFFF  }
0x22d: {  	_ =	strace $0x90000047  }
0x22e: {  	[bflag:$0x2] =	sbarrier.arrive $0xFFFF  }
0x22f: {  	p0 =	sne.s32 s0, $0x0;
	s0 =	rddreg [dreg:$0x5]  }
0x230: {  	s0 =	sadd.s32 @!p0 $0x100000, s0  }
0x231: {  	[sflag:s0] =	ssyncadd.tile.s32 @!p0 $0x1;
	_ =	shalt  }
.Lfunc_end2:
_tile_overlayer_lowered:
.L_overlay_start_2:
0x232: {  	(tag) =	ssettag $0x2  }
0x233: {  	s0 =	rddreg [dreg:$0x0];
	s2 =	stileid.u32  }
0x234: {  	s1 =	rddreg [dreg:$0x1];
	p0 =	sne.s32 s2, $0x0  }
0x235: {  	s3 =	rddreg [dreg:$0x2];
	[bflag:$0x3] =	sbarrier.arrive $0xFFFF;
	s2 =	simm.s32 @!p0 $0x1C07  }
0x236: {  	[timem:s3], [sflag:s2] =	dma.local @!p0 [hbm:s0], s1  }
0x237: {  	s0 =	simm.s32 @!p0 $0x7  }
0x238: {  	_ =	swait.ge @!p0 [sflag:s0], s1  }
0x239: {  	s1 =	ssub.s32 @!p0 $0x0, s1;
	[sflag:s0] =	ssyncset.done @!p0 $0x0  }
0x23a: {  	[sflag:s0] =	ssyncadd.s32 @!p0 s1  }
0x23b: {  	[bflag:$0x3] =	sbarrier.arrive $0xFFFF  }
0x23c: {  	_ =	shalt  }

</sc_bundles>
